<compile_context>
chip_gen: v7x
topology: tpu7x:2x2x1
jax: 0.10.2.dev20260603
libtpu: 0.0.44.dev20260713+nightly
codegen_flags: <defaults>
</compile_context>

<pallas_src>
import functools

import jax
import jax.numpy as jnp
from jax import lax
from jax.experimental import pallas as pl
from jax.experimental.pallas import tpu as pltpu
from jax.experimental.pallas import tpu_sc as plsc

D, H, E, N = 1024, 1024, 8, 4096
T = 512
G = N // T + E
N_PAD = G * T

_NC, _NS = 2, 16
_NW = _NC * _NS
_CHUNK = 32


def _sc_scatter_rows(Dm, B, V):
  b_per_w = B // _NW
  n_chunks = b_per_w // _CHUNK
  assert b_per_w % _CHUNK == 0 and B % (8 * _NW) == 0
  mesh = plsc.VectorSubcoreMesh(core_axis_name="c", subcore_axis_name="s")

  @functools.partial(
      pl.kernel,
      mesh=mesh,
      out_type=jax.ShapeDtypeStruct((V, Dm), jnp.float32),
      scratch_types=[
          pltpu.VMEM((n_chunks, _CHUNK), jnp.int32),
          pltpu.VMEM((_CHUNK, Dm), jnp.float32),
          pltpu.VMEM((_CHUNK, Dm), jnp.float32),
          pltpu.VMEM((_CHUNK, Dm), jnp.float32),
          pltpu.SemaphoreType.DMA,
          pltpu.SemaphoreType.DMA,
          pltpu.SemaphoreType.DMA,
          pltpu.SemaphoreType.DMA,
          pltpu.SemaphoreType.DMA,
          pltpu.SemaphoreType.DMA,
      ],
  )
  def k(rows_hbm, idx_hbm, out_hbm, idx_v, b0, b1, b2, l0, l1, l2, s0, s1, s2):
    wid = lax.axis_index("s") * _NC + lax.axis_index("c")
    base = wid * b_per_w
    pltpu.sync_copy(idx_hbm.at[wid], idx_v)
    bufs, lsem, ssem = (b0, b1, b2), (l0, l1, l2), (s0, s1, s2)
    nb = len(bufs)
    loads = [None] * nb
    scats = [None] * nb

    def issue_load(c):
      loads[c % nb] = pltpu.async_copy(
          rows_hbm.at[pl.ds(base + c * _CHUNK, _CHUNK)],
          bufs[c % nb], lsem[c % nb])

    for c in range(min(nb, n_chunks)):
      issue_load(c)
    for c in range(n_chunks):
      b = c % nb
      loads[b].wait()
      scats[b] = pltpu.async_copy(bufs[b], out_hbm.at[idx_v.at[c]], ssem[b])
      if c + nb < n_chunks:
        scats[b].wait()
        scats[b] = None
        issue_load(c + nb)
    for p in scats:
      if p is not None:
        p.wait()

  return k


def _sc_gather_rows(V, Dm, B):
  b_per_w = B // _NW
  n_chunks = b_per_w // _CHUNK
  assert b_per_w % _CHUNK == 0 and B % (8 * _NW) == 0
  mesh = plsc.VectorSubcoreMesh(core_axis_name="c", subcore_axis_name="s")

  @functools.partial(
      pl.kernel,
      mesh=mesh,
      out_type=jax.ShapeDtypeStruct((B, Dm), jnp.float32),
      scratch_types=[
          pltpu.VMEM((b_per_w,), jnp.int32),
          pltpu.VMEM((_CHUNK, Dm), jnp.float32),
          pltpu.VMEM((_CHUNK, Dm), jnp.float32),
          pltpu.VMEM((_CHUNK, Dm), jnp.float32),
          pltpu.SemaphoreType.DMA,
          pltpu.SemaphoreType.DMA,
          pltpu.SemaphoreType.DMA,
          pltpu.SemaphoreType.DMA,
          pltpu.SemaphoreType.DMA,
          pltpu.SemaphoreType.DMA,
      ],
  )
  def k(table_hbm, idx_hbm, out_hbm, idx_v, b0, b1, b2, g0, g1, g2, w0, w1, w2):
    wid = lax.axis_index("s") * _NC + lax.axis_index("c")
    base = wid * b_per_w
    pltpu.sync_copy(idx_hbm.at[pl.ds(base, b_per_w)], idx_v)
    bufs, gsem, wsem = (b0, b1, b2), (g0, g1, g2), (w0, w1, w2)
    nb = len(bufs)
    gaths = [None] * nb
    writes = [None] * nb

    def issue_gather(c):
      gaths[c % nb] = pltpu.async_copy(
          table_hbm.at[idx_v.at[pl.ds(c * _CHUNK, _CHUNK)]],
          bufs[c % nb], gsem[c % nb])

    for c in range(min(nb, n_chunks)):
      issue_gather(c)
    for c in range(n_chunks):
      b = c % nb
      gaths[b].wait()
      writes[b] = pltpu.async_copy(
          bufs[b], out_hbm.at[pl.ds(base + c * _CHUNK, _CHUNK)], wsem[b])
      if c + nb < n_chunks:
        writes[b].wait()
        writes[b] = None
        issue_gather(c + nb)
    for p in writes:
      if p is not None:
        p.wait()

  return k


def _ffn_body(t_ref, v_ref, x_ref, w1_ref, b1_ref, w2_ref, b2_ref, o_ref):
  del t_ref
  t = pl.program_id(0)

  @pl.when(v_ref[t] == 1)
  def _():
    xb = x_ref[...].astype(jnp.bfloat16)
    h = lax.dot_general(
        xb, w1_ref[0].astype(jnp.bfloat16), (((1,), (1,)), ((), ())),
        preferred_element_type=jnp.float32)
    h = jnp.maximum(h + b1_ref[0], 0.0).astype(jnp.bfloat16)
    o_ref[...] = lax.dot_general(
        h, w2_ref[0].astype(jnp.bfloat16), (((1,), (1,)), ((), ())),
        preferred_element_type=jnp.float32) + b2_ref[0]


def _grouped_ffn(t_ids, valid, x_sorted, W1, b1, W2, b2):
  return pl.pallas_call(
      _ffn_body,
      grid_spec=pltpu.PrefetchScalarGridSpec(
          num_scalar_prefetch=2,
          grid=(G,),
          in_specs=[
              pl.BlockSpec((T, D), lambda t, s, v: (t, 0)),
              pl.BlockSpec((1, H, D), lambda t, s, v: (s[t], 0, 0)),
              pl.BlockSpec((1, 1, H), lambda t, s, v: (s[t], 0, 0)),
              pl.BlockSpec((1, H, H), lambda t, s, v: (s[t], 0, 0)),
              pl.BlockSpec((1, 1, H), lambda t, s, v: (s[t], 0, 0)),
          ],
          out_specs=pl.BlockSpec((T, H), lambda t, s, v: (t, 0)),
      ),
      out_shape=jax.ShapeDtypeStruct((N_PAD, H), jnp.float32),
  )(t_ids, valid, x_sorted, W1, b1, W2, b2)


def kernel(x, Wr, br, W1, b1, W2, b2):
  x_fp32 = x.astype(jnp.float32)
  routing_logits = x_fp32 @ Wr.T + br
  expert_ids = jnp.argmax(routing_logits, axis=1)

  onehot = (expert_ids[:, None] == jnp.arange(E, dtype=expert_ids.dtype)
            ).astype(jnp.int32)
  csum = jnp.cumsum(onehot, axis=0)
  counts = csum[-1]
  tiles_e = (counts + T - 1) // T
  tile_end = jnp.cumsum(tiles_e)
  row_start = (tile_end - tiles_e) * T
  slot = jnp.sum((csum + row_start[None, :] - 1) * onehot, axis=1)
  tile_idx = jnp.arange(G, dtype=jnp.int32)
  raw = jnp.sum((tile_idx[:, None] >= tile_end[None, :]).astype(jnp.int32),
                axis=1)
  valid = (tile_idx < tile_end[-1]).astype(jnp.int32)
  last_e = jnp.max(jnp.where(counts > 0, jnp.arange(E), 0)).astype(jnp.int32)
  t_ids = jnp.where(valid == 1, raw, last_e).astype(jnp.int32)

  slot3 = slot.astype(jnp.int32).reshape(_NW, (N // _NW) // _CHUNK, _CHUNK)
  x_sorted = _sc_scatter_rows(D, N, N_PAD)(x, slot3)

  out_sorted = _grouped_ffn(t_ids, valid, x_sorted, W1, b1[:, None, :], W2,
                            b2[:, None, :])

  outputs = _sc_gather_rows(N_PAD, H, N)(out_sorted, slot.astype(jnp.int32))
  return outputs, expert_ids

# --- scband reference (transcript-rebuilt; emitter-appended) ---
"""Pipeline reference for scband-switch-layer-41721312314324 (READ-ONLY COPY).

The authoritative reference and input builder live on the scoring server;
editing this copy changes nothing except your own understanding.
"""

import jax, jax.numpy as jnp
import numpy as np

D, H, E, N = 1024, 1024, 8, 4096

def setup_inputs(seed: int = 0):
    key = jax.random.key(seed)
    ks = jax.random.split(key, 8)
    x = jax.random.normal(ks[0], (N, D), dtype=jnp.float32)
    # router linear (default torch init scale approx)
    Wr = jax.random.normal(ks[1], (E, D), dtype=jnp.float32) * (1.0 / np.sqrt(D))
    br = jnp.zeros((E,), dtype=jnp.float32)
    # experts: Linear(D->H), ReLU, Dropout(eval: identity), Linear(H->H)
    # trunc_normal init with std = 0.1 / sqrt(fan_in), bias = 0
    std1 = 0.1 / np.sqrt(D)
    W1 = jax.random.truncated_normal(ks[2], -2.0, 2.0, (E, H, D), dtype=jnp.float32) * std1
    b1 = jnp.zeros((E, H), dtype=jnp.float32)
    std2 = 0.1 / np.sqrt(H)
    W2 = jax.random.truncated_normal(ks[3], -2.0, 2.0, (E, H, H), dtype=jnp.float32) * std2
    b2 = jnp.zeros((E, H), dtype=jnp.float32)
    return {"x": x, "Wr": Wr, "br": br, "W1": W1, "b1": b1, "W2": W2, "b2": b2}

def reference(x, Wr, br, W1, b1, W2, b2):
    # router in fp32 (autocast disabled in original)
    x_fp32 = x.astype(jnp.float32)
    routing_logits = x_fp32 @ Wr.T + br
    expert_ids = jnp.argmax(routing_logits, axis=1)
    # compute every expert densely, then select the argmax expert per token
    # (same math/output as the original masked per-expert loop; dropout is
    # identity in eval mode)
    h = jax.nn.relu(jnp.einsum('nd,ehd->neh', x, W1) + b1[None, :, :])
    out_all = jnp.einsum('neh,efh->nef', h, W2) + b2[None, :, :]
    outputs = jnp.take_along_axis(out_all, expert_ids[:, None, None], axis=1)[:, 0, :]
    return outputs, expert_ids

if __name__ == "__main__":
    import jax
    _d = setup_inputs()
    print(jax.jit(kernel)(*tuple(_d.values())))

</pallas_src>

<mosaic_0001>
#map = affine_map<(d0, d1) -> (0, 0)>
#map1 = affine_map<(d0, d1) -> (0, 0, 0)>
module attributes {stable_mosaic.version = 14 : i64} {
  func.func @k(%arg0: i32, %arg1: i32, %arg2: memref<4096x1024xf32, #tpu.memory_space<hbm>>, %arg3: memref<32x4x32xi32, #tpu.memory_space<hbm>>, %arg4: memref<8192x1024xf32, #tpu.memory_space<hbm>>, %arg5: memref<4x32xi32, #tpu.memory_space<vmem>>, %arg6: memref<32x1024xf32, #tpu.memory_space<vmem>>, %arg7: memref<32x1024xf32, #tpu.memory_space<vmem>>, %arg8: memref<32x1024xf32, #tpu.memory_space<vmem>>, %arg9: memref<!tpu.dma_semaphore, #tpu.memory_space<semaphore_mem>>, %arg10: memref<!tpu.dma_semaphore, #tpu.memory_space<semaphore_mem>>, %arg11: memref<!tpu.dma_semaphore, #tpu.memory_space<semaphore_mem>>, %arg12: memref<!tpu.dma_semaphore, #tpu.memory_space<semaphore_mem>>, %arg13: memref<!tpu.dma_semaphore, #tpu.memory_space<semaphore_mem>>, %arg14: memref<!tpu.dma_semaphore, #tpu.memory_space<semaphore_mem>>) attributes {dimension_semantics = [#tpu.dimension_semantics<core_parallel>, #tpu.dimension_semantics<subcore_parallel>], iteration_bounds = array<i64: 2, 16>, scalar_prefetch = 0 : i64, scratch_operands = 10 : i64, tpu.core_type = #tpu.core_type<sc_vector_subcore>, window_params = [{transform_indices = #map}, {transform_indices = #map1}, {transform_indices = #map}]} {
    %mul3A = arith.constant 2 : i32
    %mul3A_0 = arith.muli %arg1, %mul3A : i32
    %add3A = arith.addi %mul3A_0, %arg0 : i32
    %mul3A_1 = arith.constant 128 : i32
    %mul3A_2 = arith.muli %add3A, %mul3A_1 : i32
    "tpu.region"() ({
      %run_scoped3A = tpu.sem_alloc : memref<!tpu.dma_semaphore, #tpu.memory_space<semaphore_mem>>
      %dma_start3A_97 = arith.constant 0 : i32
      %dma_start3A_98 = arith.constant 0 : i32
      %dma_start3A_99 = tpu.memref_slice %arg3[%add3A, %dma_start3A_97, %dma_start3A_98] : memref<32x4x32xi32, #tpu.memory_space<hbm>> -> memref<1x4x32xi32, #tpu.memory_space<hbm>>
      %dma_start3A_100 = tpu.memref_squeeze %dma_start3A_99 : memref<1x4x32xi32, #tpu.memory_space<hbm>> -> memref<4x32xi32, #tpu.memory_space<hbm>>
      %dma_start3A_101 = arith.constant 0 : i32
      %dma_start3A_102 = arith.constant 0 : i32
      %dma_start3A_103 = tpu.memref_slice %arg3[%add3A, %dma_start3A_101, %dma_start3A_102] : memref<32x4x32xi32, #tpu.memory_space<hbm>> -> memref<1x4x32xi32, #tpu.memory_space<hbm>>
      %dma_start3A_104 = tpu.memref_squeeze %dma_start3A_103 : memref<1x4x32xi32, #tpu.memory_space<hbm>> -> memref<4x32xi32, #tpu.memory_space<hbm>>
      tpu.enqueue_dma source(%dma_start3A_104 : memref<4x32xi32, #tpu.memory_space<hbm>>) target(%arg5 : memref<4x32xi32, #tpu.memory_space<vmem>>) target_semaphore(%run_scoped3A : memref<!tpu.dma_semaphore, #tpu.memory_space<semaphore_mem>>)
      %dma_wait3A_105 = arith.constant 0 : i32
      %dma_wait3A_106 = arith.constant 0 : i32
      %dma_wait3A_107 = tpu.memref_slice %arg3[%add3A, %dma_wait3A_105, %dma_wait3A_106] : memref<32x4x32xi32, #tpu.memory_space<hbm>> -> memref<1x4x32xi32, #tpu.memory_space<hbm>>
      %dma_wait3A_108 = tpu.memref_squeeze %dma_wait3A_107 : memref<1x4x32xi32, #tpu.memory_space<hbm>> -> memref<4x32xi32, #tpu.memory_space<hbm>>
      %dma_wait3A_109 = arith.constant 0 : i32
      %dma_wait3A_110 = arith.constant 0 : i32
      %dma_wait3A_111 = tpu.memref_slice %arg3[%add3A, %dma_wait3A_109, %dma_wait3A_110] : memref<32x4x32xi32, #tpu.memory_space<hbm>> -> memref<1x4x32xi32, #tpu.memory_space<hbm>>
      %dma_wait3A_112 = tpu.memref_squeeze %dma_wait3A_111 : memref<1x4x32xi32, #tpu.memory_space<hbm>> -> memref<4x32xi32, #tpu.memory_space<hbm>>
      tpu.wait_dma2 semaphore(%run_scoped3A : memref<!tpu.dma_semaphore, #tpu.memory_space<semaphore_mem>>) src(%dma_wait3A_112 : memref<4x32xi32, #tpu.memory_space<hbm>>) dst(%arg5 : memref<4x32xi32, #tpu.memory_space<vmem>>)
      tpu.yield
    }) : () -> ()
    %add3A_3 = arith.constant 0 : i32
    %add3A_4 = arith.addi %mul3A_2, %add3A_3 : i32
    %dma_start3A = arith.constant 0 : i32
    %dma_start3A_5 = tpu.memref_slice %arg2[%add3A_4, %dma_start3A] : memref<4096x1024xf32, #tpu.memory_space<hbm>> -> memref<32x1024xf32, #tpu.memory_space<hbm>>
    %dma_start3A_6 = arith.constant 0 : i32
    %dma_start3A_7 = tpu.memref_slice %arg2[%add3A_4, %dma_start3A_6] : memref<4096x1024xf32, #tpu.memory_space<hbm>> -> memref<32x1024xf32, #tpu.memory_space<hbm>>
    tpu.enqueue_dma source(%dma_start3A_7 : memref<32x1024xf32, #tpu.memory_space<hbm>>) target(%arg6 : memref<32x1024xf32, #tpu.memory_space<vmem>>) target_semaphore(%arg9 : memref<!tpu.dma_semaphore, #tpu.memory_space<semaphore_mem>>)
    %add3A_8 = arith.constant 32 : i32
    %add3A_9 = arith.addi %mul3A_2, %add3A_8 : i32
    %dma_start3A_10 = arith.constant 0 : i32
    %dma_start3A_11 = tpu.memref_slice %arg2[%add3A_9, %dma_start3A_10] : memref<4096x1024xf32, #tpu.memory_space<hbm>> -> memref<32x1024xf32, #tpu.memory_space<hbm>>
    %dma_start3A_12 = arith.constant 0 : i32
    %dma_start3A_13 = tpu.memref_slice %arg2[%add3A_9, %dma_start3A_12] : memref<4096x1024xf32, #tpu.memory_space<hbm>> -> memref<32x1024xf32, #tpu.memory_space<hbm>>
    tpu.enqueue_dma source(%dma_start3A_13 : memref<32x1024xf32, #tpu.memory_space<hbm>>) target(%arg7 : memref<32x1024xf32, #tpu.memory_space<vmem>>) target_semaphore(%arg10 : memref<!tpu.dma_semaphore, #tpu.memory_space<semaphore_mem>>)
    %add3A_14 = arith.constant 64 : i32
    %add3A_15 = arith.addi %mul3A_2, %add3A_14 : i32
    %dma_start3A_16 = arith.constant 0 : i32
    %dma_start3A_17 = tpu.memref_slice %arg2[%add3A_15, %dma_start3A_16] : memref<4096x1024xf32, #tpu.memory_space<hbm>> -> memref<32x1024xf32, #tpu.memory_space<hbm>>
    %dma_start3A_18 = arith.constant 0 : i32
    %dma_start3A_19 = tpu.memref_slice %arg2[%add3A_15, %dma_start3A_18] : memref<4096x1024xf32, #tpu.memory_space<hbm>> -> memref<32x1024xf32, #tpu.memory_space<hbm>>
    tpu.enqueue_dma source(%dma_start3A_19 : memref<32x1024xf32, #tpu.memory_space<hbm>>) target(%arg8 : memref<32x1024xf32, #tpu.memory_space<vmem>>) target_semaphore(%arg11 : memref<!tpu.dma_semaphore, #tpu.memory_space<semaphore_mem>>)
    %dma_wait3A = arith.constant 0 : i32
    %dma_wait3A_20 = tpu.memref_slice %arg2[%add3A_4, %dma_wait3A] : memref<4096x1024xf32, #tpu.memory_space<hbm>> -> memref<32x1024xf32, #tpu.memory_space<hbm>>
    %dma_wait3A_21 = arith.constant 0 : i32
    %dma_wait3A_22 = tpu.memref_slice %arg2[%add3A_4, %dma_wait3A_21] : memref<4096x1024xf32, #tpu.memory_space<hbm>> -> memref<32x1024xf32, #tpu.memory_space<hbm>>
    tpu.wait_dma2 semaphore(%arg9 : memref<!tpu.dma_semaphore, #tpu.memory_space<semaphore_mem>>) src(%dma_wait3A_22 : memref<32x1024xf32, #tpu.memory_space<hbm>>) dst(%arg6 : memref<32x1024xf32, #tpu.memory_space<vmem>>)
    %dma_start3A_23 = arith.constant 0 : i32
    %dma_start3A_24 = arith.constant 0 : i32
    %dma_start3A_25 = tpu.memref_slice %arg5[%dma_start3A_23, %dma_start3A_24] : memref<4x32xi32, #tpu.memory_space<vmem>> -> memref<1x32xi32, #tpu.memory_space<vmem>>
    %dma_start3A_26 = tpu.memref_squeeze %dma_start3A_25 : memref<1x32xi32, #tpu.memory_space<vmem>> -> memref<32xi32, #tpu.memory_space<vmem>>
    %dma_start3A_27 = arith.constant 0 : i32
    %dma_start3A_28 = arith.constant 0 : i32
    %dma_start3A_29 = tpu.memref_slice %arg4[%dma_start3A_27, %dma_start3A_28] : memref<8192x1024xf32, #tpu.memory_space<hbm>> -> memref<8192x1024xf32, #tpu.memory_space<hbm>>
    tpu.enqueue_indirect_dma source(%arg6 : memref<32x1024xf32, #tpu.memory_space<vmem>>) target(%dma_start3A_29 : memref<8192x1024xf32, #tpu.memory_space<hbm>>) offsets(%dma_start3A_26 : memref<32xi32, #tpu.memory_space<vmem>>) semaphore(%arg12 : memref<!tpu.dma_semaphore, #tpu.memory_space<semaphore_mem>>)
    %dma_wait3A_30 = arith.constant 0 : i32
    %dma_wait3A_31 = arith.constant 0 : i32
    %dma_wait3A_32 = tpu.memref_slice %arg5[%dma_wait3A_30, %dma_wait3A_31] : memref<4x32xi32, #tpu.memory_space<vmem>> -> memref<1x32xi32, #tpu.memory_space<vmem>>
    %dma_wait3A_33 = tpu.memref_squeeze %dma_wait3A_32 : memref<1x32xi32, #tpu.memory_space<vmem>> -> memref<32xi32, #tpu.memory_space<vmem>>
    %dma_wait3A_34 = arith.constant 0 : i32
    %dma_wait3A_35 = arith.constant 0 : i32
    %dma_wait3A_36 = tpu.memref_slice %arg4[%dma_wait3A_34, %dma_wait3A_35] : memref<8192x1024xf32, #tpu.memory_space<hbm>> -> memref<8192x1024xf32, #tpu.memory_space<hbm>>
    tpu.wait_indirect_dma semaphore(%arg12 : memref<!tpu.dma_semaphore, #tpu.memory_space<semaphore_mem>>) src(%arg6 : memref<32x1024xf32, #tpu.memory_space<vmem>>) dst(%dma_wait3A_36 : memref<8192x1024xf32, #tpu.memory_space<hbm>>)
    %add3A_37 = arith.constant 96 : i32
    %add3A_38 = arith.addi %mul3A_2, %add3A_37 : i32
    %dma_start3A_39 = arith.constant 0 : i32
    %dma_start3A_40 = tpu.memref_slice %arg2[%add3A_38, %dma_start3A_39] : memref<4096x1024xf32, #tpu.memory_space<hbm>> -> memref<32x1024xf32, #tpu.memory_space<hbm>>
    %dma_start3A_41 = arith.constant 0 : i32
    %dma_start3A_42 = tpu.memref_slice %arg2[%add3A_38, %dma_start3A_41] : memref<4096x1024xf32, #tpu.memory_space<hbm>> -> memref<32x1024xf32, #tpu.memory_space<hbm>>
    tpu.enqueue_dma source(%dma_start3A_42 : memref<32x1024xf32, #tpu.memory_space<hbm>>) target(%arg6 : memref<32x1024xf32, #tpu.memory_space<vmem>>) target_semaphore(%arg9 : memref<!tpu.dma_semaphore, #tpu.memory_space<semaphore_mem>>)
    %dma_wait3A_43 = arith.constant 0 : i32
    %dma_wait3A_44 = tpu.memref_slice %arg2[%add3A_9, %dma_wait3A_43] : memref<4096x1024xf32, #tpu.memory_space<hbm>> -> memref<32x1024xf32, #tpu.memory_space<hbm>>
    %dma_wait3A_45 = arith.constant 0 : i32
    %dma_wait3A_46 = tpu.memref_slice %arg2[%add3A_9, %dma_wait3A_45] : memref<4096x1024xf32, #tpu.memory_space<hbm>> -> memref<32x1024xf32, #tpu.memory_space<hbm>>
    tpu.wait_dma2 semaphore(%arg10 : memref<!tpu.dma_semaphore, #tpu.memory_space<semaphore_mem>>) src(%dma_wait3A_46 : memref<32x1024xf32, #tpu.memory_space<hbm>>) dst(%arg7 : memref<32x1024xf32, #tpu.memory_space<vmem>>)
    %dma_start3A_47 = arith.constant 1 : i32
    %dma_start3A_48 = arith.constant 0 : i32
    %dma_start3A_49 = tpu.memref_slice %arg5[%dma_start3A_47, %dma_start3A_48] : memref<4x32xi32, #tpu.memory_space<vmem>> -> memref<1x32xi32, #tpu.memory_space<vmem>>
    %dma_start3A_50 = tpu.memref_squeeze %dma_start3A_49 : memref<1x32xi32, #tpu.memory_space<vmem>> -> memref<32xi32, #tpu.memory_space<vmem>>
    %dma_start3A_51 = arith.constant 0 : i32
    %dma_start3A_52 = arith.constant 0 : i32
    %dma_start3A_53 = tpu.memref_slice %arg4[%dma_start3A_51, %dma_start3A_52] : memref<8192x1024xf32, #tpu.memory_space<hbm>> -> memref<8192x1024xf32, #tpu.memory_space<hbm>>
    tpu.enqueue_indirect_dma source(%arg7 : memref<32x1024xf32, #tpu.memory_space<vmem>>) target(%dma_start3A_53 : memref<8192x1024xf32, #tpu.memory_space<hbm>>) offsets(%dma_start3A_50 : memref<32xi32, #tpu.memory_space<vmem>>) semaphore(%arg13 : memref<!tpu.dma_semaphore, #tpu.memory_space<semaphore_mem>>)
    %dma_wait3A_54 = arith.constant 0 : i32
    %dma_wait3A_55 = tpu.memref_slice %arg2[%add3A_15, %dma_wait3A_54] : memref<4096x1024xf32, #tpu.memory_space<hbm>> -> memref<32x1024xf32, #tpu.memory_space<hbm>>
    %dma_wait3A_56 = arith.constant 0 : i32
    %dma_wait3A_57 = tpu.memref_slice %arg2[%add3A_15, %dma_wait3A_56] : memref<4096x1024xf32, #tpu.memory_space<hbm>> -> memref<32x1024xf32, #tpu.memory_space<hbm>>
    tpu.wait_dma2 semaphore(%arg11 : memref<!tpu.dma_semaphore, #tpu.memory_space<semaphore_mem>>) src(%dma_wait3A_57 : memref<32x1024xf32, #tpu.memory_space<hbm>>) dst(%arg8 : memref<32x1024xf32, #tpu.memory_space<vmem>>)
    %dma_start3A_58 = arith.constant 2 : i32
    %dma_start3A_59 = arith.constant 0 : i32
    %dma_start3A_60 = tpu.memref_slice %arg5[%dma_start3A_58, %dma_start3A_59] : memref<4x32xi32, #tpu.memory_space<vmem>> -> memref<1x32xi32, #tpu.memory_space<vmem>>
    %dma_start3A_61 = tpu.memref_squeeze %dma_start3A_60 : memref<1x32xi32, #tpu.memory_space<vmem>> -> memref<32xi32, #tpu.memory_space<vmem>>
    %dma_start3A_62 = arith.constant 0 : i32
    %dma_start3A_63 = arith.constant 0 : i32
    %dma_start3A_64 = tpu.memref_slice %arg4[%dma_start3A_62, %dma_start3A_63] : memref<8192x1024xf32, #tpu.memory_space<hbm>> -> memref<8192x1024xf32, #tpu.memory_space<hbm>>
    tpu.enqueue_indirect_dma source(%arg8 : memref<32x1024xf32, #tpu.memory_space<vmem>>) target(%dma_start3A_64 : memref<8192x1024xf32, #tpu.memory_space<hbm>>) offsets(%dma_start3A_61 : memref<32xi32, #tpu.memory_space<vmem>>) semaphore(%arg14 : memref<!tpu.dma_semaphore, #tpu.memory_space<semaphore_mem>>)
    %dma_wait3A_65 = arith.constant 0 : i32
    %dma_wait3A_66 = tpu.memref_slice %arg2[%add3A_38, %dma_wait3A_65] : memref<4096x1024xf32, #tpu.memory_space<hbm>> -> memref<32x1024xf32, #tpu.memory_space<hbm>>
    %dma_wait3A_67 = arith.constant 0 : i32
    %dma_wait3A_68 = tpu.memref_slice %arg2[%add3A_38, %dma_wait3A_67] : memref<4096x1024xf32, #tpu.memory_space<hbm>> -> memref<32x1024xf32, #tpu.memory_space<hbm>>
    tpu.wait_dma2 semaphore(%arg9 : memref<!tpu.dma_semaphore, #tpu.memory_space<semaphore_mem>>) src(%dma_wait3A_68 : memref<32x1024xf32, #tpu.memory_space<hbm>>) dst(%arg6 : memref<32x1024xf32, #tpu.memory_space<vmem>>)
    %dma_start3A_69 = arith.constant 3 : i32
    %dma_start3A_70 = arith.constant 0 : i32
    %dma_start3A_71 = tpu.memref_slice %arg5[%dma_start3A_69, %dma_start3A_70] : memref<4x32xi32, #tpu.memory_space<vmem>> -> memref<1x32xi32, #tpu.memory_space<vmem>>
    %dma_start3A_72 = tpu.memref_squeeze %dma_start3A_71 : memref<1x32xi32, #tpu.memory_space<vmem>> -> memref<32xi32, #tpu.memory_space<vmem>>
    %dma_start3A_73 = arith.constant 0 : i32
    %dma_start3A_74 = arith.constant 0 : i32
    %dma_start3A_75 = tpu.memref_slice %arg4[%dma_start3A_73, %dma_start3A_74] : memref<8192x1024xf32, #tpu.memory_space<hbm>> -> memref<8192x1024xf32, #tpu.memory_space<hbm>>
    tpu.enqueue_indirect_dma source(%arg6 : memref<32x1024xf32, #tpu.memory_space<vmem>>) target(%dma_start3A_75 : memref<8192x1024xf32, #tpu.memory_space<hbm>>) offsets(%dma_start3A_72 : memref<32xi32, #tpu.memory_space<vmem>>) semaphore(%arg12 : memref<!tpu.dma_semaphore, #tpu.memory_space<semaphore_mem>>)
    %dma_wait3A_76 = arith.constant 3 : i32
    %dma_wait3A_77 = arith.constant 0 : i32
    %dma_wait3A_78 = tpu.memref_slice %arg5[%dma_wait3A_76, %dma_wait3A_77] : memref<4x32xi32, #tpu.memory_space<vmem>> -> memref<1x32xi32, #tpu.memory_space<vmem>>
    %dma_wait3A_79 = tpu.memref_squeeze %dma_wait3A_78 : memref<1x32xi32, #tpu.memory_space<vmem>> -> memref<32xi32, #tpu.memory_space<vmem>>
    %dma_wait3A_80 = arith.constant 0 : i32
    %dma_wait3A_81 = arith.constant 0 : i32
    %dma_wait3A_82 = tpu.memref_slice %arg4[%dma_wait3A_80, %dma_wait3A_81] : memref<8192x1024xf32, #tpu.memory_space<hbm>> -> memref<8192x1024xf32, #tpu.memory_space<hbm>>
    tpu.wait_indirect_dma semaphore(%arg12 : memref<!tpu.dma_semaphore, #tpu.memory_space<semaphore_mem>>) src(%arg6 : memref<32x1024xf32, #tpu.memory_space<vmem>>) dst(%dma_wait3A_82 : memref<8192x1024xf32, #tpu.memory_space<hbm>>)
    %dma_wait3A_83 = arith.constant 1 : i32
    %dma_wait3A_84 = arith.constant 0 : i32
    %dma_wait3A_85 = tpu.memref_slice %arg5[%dma_wait3A_83, %dma_wait3A_84] : memref<4x32xi32, #tpu.memory_space<vmem>> -> memref<1x32xi32, #tpu.memory_space<vmem>>
    %dma_wait3A_86 = tpu.memref_squeeze %dma_wait3A_85 : memref<1x32xi32, #tpu.memory_space<vmem>> -> memref<32xi32, #tpu.memory_space<vmem>>
    %dma_wait3A_87 = arith.constant 0 : i32
    %dma_wait3A_88 = arith.constant 0 : i32
    %dma_wait3A_89 = tpu.memref_slice %arg4[%dma_wait3A_87, %dma_wait3A_88] : memref<8192x1024xf32, #tpu.memory_space<hbm>> -> memref<8192x1024xf32, #tpu.memory_space<hbm>>
    tpu.wait_indirect_dma semaphore(%arg13 : memref<!tpu.dma_semaphore, #tpu.memory_space<semaphore_mem>>) src(%arg7 : memref<32x1024xf32, #tpu.memory_space<vmem>>) dst(%dma_wait3A_89 : memref<8192x1024xf32, #tpu.memory_space<hbm>>)
    %dma_wait3A_90 = arith.constant 2 : i32
    %dma_wait3A_91 = arith.constant 0 : i32
    %dma_wait3A_92 = tpu.memref_slice %arg5[%dma_wait3A_90, %dma_wait3A_91] : memref<4x32xi32, #tpu.memory_space<vmem>> -> memref<1x32xi32, #tpu.memory_space<vmem>>
    %dma_wait3A_93 = tpu.memref_squeeze %dma_wait3A_92 : memref<1x32xi32, #tpu.memory_space<vmem>> -> memref<32xi32, #tpu.memory_space<vmem>>
    %dma_wait3A_94 = arith.constant 0 : i32
    %dma_wait3A_95 = arith.constant 0 : i32
    %dma_wait3A_96 = tpu.memref_slice %arg4[%dma_wait3A_94, %dma_wait3A_95] : memref<8192x1024xf32, #tpu.memory_space<hbm>> -> memref<8192x1024xf32, #tpu.memory_space<hbm>>
    tpu.wait_indirect_dma semaphore(%arg14 : memref<!tpu.dma_semaphore, #tpu.memory_space<semaphore_mem>>) src(%arg8 : memref<32x1024xf32, #tpu.memory_space<vmem>>) dst(%dma_wait3A_96 : memref<8192x1024xf32, #tpu.memory_space<hbm>>)
    return
  }
}

#map = affine_map<(d0, d1) -> (0, 0)>
#map1 = affine_map<(d0, d1) -> (0)>
module attributes {stable_mosaic.version = 14 : i64} {
  func.func @k(%arg0: i32, %arg1: i32, %arg2: memref<8192x1024xf32, #tpu.memory_space<hbm>>, %arg3: memref<4096xi32, #tpu.memory_space<hbm>>, %arg4: memref<4096x1024xf32, #tpu.memory_space<hbm>>, %arg5: memref<128xi32, #tpu.memory_space<vmem>>, %arg6: memref<32x1024xf32, #tpu.memory_space<vmem>>, %arg7: memref<32x1024xf32, #tpu.memory_space<vmem>>, %arg8: memref<32x1024xf32, #tpu.memory_space<vmem>>, %arg9: memref<!tpu.dma_semaphore, #tpu.memory_space<semaphore_mem>>, %arg10: memref<!tpu.dma_semaphore, #tpu.memory_space<semaphore_mem>>, %arg11: memref<!tpu.dma_semaphore, #tpu.memory_space<semaphore_mem>>, %arg12: memref<!tpu.dma_semaphore, #tpu.memory_space<semaphore_mem>>, %arg13: memref<!tpu.dma_semaphore, #tpu.memory_space<semaphore_mem>>, %arg14: memref<!tpu.dma_semaphore, #tpu.memory_space<semaphore_mem>>) attributes {dimension_semantics = [#tpu.dimension_semantics<core_parallel>, #tpu.dimension_semantics<subcore_parallel>], iteration_bounds = array<i64: 2, 16>, scalar_prefetch = 0 : i64, scratch_operands = 10 : i64, tpu.core_type = #tpu.core_type<sc_vector_subcore>, window_params = [{transform_indices = #map}, {transform_indices = #map1}, {transform_indices = #map}]} {
    %mul3A = arith.constant 2 : i32
    %mul3A_0 = arith.muli %arg1, %mul3A : i32
    %add3A = arith.addi %mul3A_0, %arg0 : i32
    %mul3A_1 = arith.constant 128 : i32
    %mul3A_2 = arith.muli %add3A, %mul3A_1 : i32
    "tpu.region"() ({
      %run_scoped3A = tpu.sem_alloc : memref<!tpu.dma_semaphore, #tpu.memory_space<semaphore_mem>>
      %dma_start3A_81 = tpu.memref_slice %arg3[%mul3A_2] : memref<4096xi32, #tpu.memory_space<hbm>> -> memref<128xi32, #tpu.memory_space<hbm>>
      %dma_start3A_82 = tpu.memref_slice %arg3[%mul3A_2] : memref<4096xi32, #tpu.memory_space<hbm>> -> memref<128xi32, #tpu.memory_space<hbm>>
      tpu.enqueue_dma source(%dma_start3A_82 : memref<128xi32, #tpu.memory_space<hbm>>) target(%arg5 : memref<128xi32, #tpu.memory_space<vmem>>) target_semaphore(%run_scoped3A : memref<!tpu.dma_semaphore, #tpu.memory_space<semaphore_mem>>)
      %dma_wait3A_83 = tpu.memref_slice %arg3[%mul3A_2] : memref<4096xi32, #tpu.memory_space<hbm>> -> memref<128xi32, #tpu.memory_space<hbm>>
      %dma_wait3A_84 = tpu.memref_slice %arg3[%mul3A_2] : memref<4096xi32, #tpu.memory_space<hbm>> -> memref<128xi32, #tpu.memory_space<hbm>>
      tpu.wait_dma2 semaphore(%run_scoped3A : memref<!tpu.dma_semaphore, #tpu.memory_space<semaphore_mem>>) src(%dma_wait3A_84 : memref<128xi32, #tpu.memory_space<hbm>>) dst(%arg5 : memref<128xi32, #tpu.memory_space<vmem>>)
      tpu.yield
    }) : () -> ()
    %dma_start3A = arith.constant 0 : i32
    %dma_start3A_3 = tpu.memref_slice %arg5[%dma_start3A] : memref<128xi32, #tpu.memory_space<vmem>> -> memref<32xi32, #tpu.memory_space<vmem>>
    %dma_start3A_4 = arith.constant 0 : i32
    %dma_start3A_5 = arith.constant 0 : i32
    %dma_start3A_6 = tpu.memref_slice %arg2[%dma_start3A_4, %dma_start3A_5] : memref<8192x1024xf32, #tpu.memory_space<hbm>> -> memref<8192x1024xf32, #tpu.memory_space<hbm>>
    tpu.enqueue_indirect_dma source(%dma_start3A_6 : memref<8192x1024xf32, #tpu.memory_space<hbm>>) target(%arg6 : memref<32x1024xf32, #tpu.memory_space<vmem>>) offsets(%dma_start3A_3 : memref<32xi32, #tpu.memory_space<vmem>>) semaphore(%arg9 : memref<!tpu.dma_semaphore, #tpu.memory_space<semaphore_mem>>)
    %dma_start3A_7 = arith.constant 32 : i32
    %dma_start3A_8 = tpu.memref_slice %arg5[%dma_start3A_7] : memref<128xi32, #tpu.memory_space<vmem>> -> memref<32xi32, #tpu.memory_space<vmem>>
    %dma_start3A_9 = arith.constant 0 : i32
    %dma_start3A_10 = arith.constant 0 : i32
    %dma_start3A_11 = tpu.memref_slice %arg2[%dma_start3A_9, %dma_start3A_10] : memref<8192x1024xf32, #tpu.memory_space<hbm>> -> memref<8192x1024xf32, #tpu.memory_space<hbm>>
    tpu.enqueue_indirect_dma source(%dma_start3A_11 : memref<8192x1024xf32, #tpu.memory_space<hbm>>) target(%arg7 : memref<32x1024xf32, #tpu.memory_space<vmem>>) offsets(%dma_start3A_8 : memref<32xi32, #tpu.memory_space<vmem>>) semaphore(%arg10 : memref<!tpu.dma_semaphore, #tpu.memory_space<semaphore_mem>>)
    %dma_start3A_12 = arith.constant 64 : i32
    %dma_start3A_13 = tpu.memref_slice %arg5[%dma_start3A_12] : memref<128xi32, #tpu.memory_space<vmem>> -> memref<32xi32, #tpu.memory_space<vmem>>
    %dma_start3A_14 = arith.constant 0 : i32
    %dma_start3A_15 = arith.constant 0 : i32
    %dma_start3A_16 = tpu.memref_slice %arg2[%dma_start3A_14, %dma_start3A_15] : memref<8192x1024xf32, #tpu.memory_space<hbm>> -> memref<8192x1024xf32, #tpu.memory_space<hbm>>
    tpu.enqueue_indirect_dma source(%dma_start3A_16 : memref<8192x1024xf32, #tpu.memory_space<hbm>>) target(%arg8 : memref<32x1024xf32, #tpu.memory_space<vmem>>) offsets(%dma_start3A_13 : memref<32xi32, #tpu.memory_space<vmem>>) semaphore(%arg11 : memref<!tpu.dma_semaphore, #tpu.memory_space<semaphore_mem>>)
    %dma_wait3A = arith.constant 0 : i32
    %dma_wait3A_17 = tpu.memref_slice %arg5[%dma_wait3A] : memref<128xi32, #tpu.memory_space<vmem>> -> memref<32xi32, #tpu.memory_space<vmem>>
    %dma_wait3A_18 = arith.constant 0 : i32
    %dma_wait3A_19 = arith.constant 0 : i32
    %dma_wait3A_20 = tpu.memref_slice %arg2[%dma_wait3A_18, %dma_wait3A_19] : memref<8192x1024xf32, #tpu.memory_space<hbm>> -> memref<8192x1024xf32, #tpu.memory_space<hbm>>
    tpu.wait_indirect_dma semaphore(%arg9 : memref<!tpu.dma_semaphore, #tpu.memory_space<semaphore_mem>>) src(%dma_wait3A_20 : memref<8192x1024xf32, #tpu.memory_space<hbm>>) dst(%arg6 : memref<32x1024xf32, #tpu.memory_space<vmem>>)
    %add3A_21 = arith.constant 0 : i32
    %add3A_22 = arith.addi %mul3A_2, %add3A_21 : i32
    %dma_start3A_23 = arith.constant 0 : i32
    %dma_start3A_24 = tpu.memref_slice %arg4[%add3A_22, %dma_start3A_23] : memref<4096x1024xf32, #tpu.memory_space<hbm>> -> memref<32x1024xf32, #tpu.memory_space<hbm>>
    %dma_start3A_25 = arith.constant 0 : i32
    %dma_start3A_26 = tpu.memref_slice %arg4[%add3A_22, %dma_start3A_25] : memref<4096x1024xf32, #tpu.memory_space<hbm>> -> memref<32x1024xf32, #tpu.memory_space<hbm>>
    tpu.enqueue_dma source(%arg6 : memref<32x1024xf32, #tpu.memory_space<vmem>>) target(%dma_start3A_26 : memref<32x1024xf32, #tpu.memory_space<hbm>>) target_semaphore(%arg12 : memref<!tpu.dma_semaphore, #tpu.memory_space<semaphore_mem>>)
    %dma_wait3A_27 = arith.constant 0 : i32
    %dma_wait3A_28 = tpu.memref_slice %arg4[%add3A_22, %dma_wait3A_27] : memref<4096x1024xf32, #tpu.memory_space<hbm>> -> memref<32x1024xf32, #tpu.memory_space<hbm>>
    %dma_wait3A_29 = arith.constant 0 : i32
    %dma_wait3A_30 = tpu.memref_slice %arg4[%add3A_22, %dma_wait3A_29] : memref<4096x1024xf32, #tpu.memory_space<hbm>> -> memref<32x1024xf32, #tpu.memory_space<hbm>>
    tpu.wait_dma2 semaphore(%arg12 : memref<!tpu.dma_semaphore, #tpu.memory_space<semaphore_mem>>) src(%arg6 : memref<32x1024xf32, #tpu.memory_space<vmem>>) dst(%dma_wait3A_30 : memref<32x1024xf32, #tpu.memory_space<hbm>>)
    %dma_start3A_31 = arith.constant 96 : i32
    %dma_start3A_32 = tpu.memref_slice %arg5[%dma_start3A_31] : memref<128xi32, #tpu.memory_space<vmem>> -> memref<32xi32, #tpu.memory_space<vmem>>
    %dma_start3A_33 = arith.constant 0 : i32
    %dma_start3A_34 = arith.constant 0 : i32
    %dma_start3A_35 = tpu.memref_slice %arg2[%dma_start3A_33, %dma_start3A_34] : memref<8192x1024xf32, #tpu.memory_space<hbm>> -> memref<8192x1024xf32, #tpu.memory_space<hbm>>
    tpu.enqueue_indirect_dma source(%dma_start3A_35 : memref<8192x1024xf32, #tpu.memory_space<hbm>>) target(%arg6 : memref<32x1024xf32, #tpu.memory_space<vmem>>) offsets(%dma_start3A_32 : memref<32xi32, #tpu.memory_space<vmem>>) semaphore(%arg9 : memref<!tpu.dma_semaphore, #tpu.memory_space<semaphore_mem>>)
    %dma_wait3A_36 = arith.constant 32 : i32
    %dma_wait3A_37 = tpu.memref_slice %arg5[%dma_wait3A_36] : memref<128xi32, #tpu.memory_space<vmem>> -> memref<32xi32, #tpu.memory_space<vmem>>
    %dma_wait3A_38 = arith.constant 0 : i32
    %dma_wait3A_39 = arith.constant 0 : i32
    %dma_wait3A_40 = tpu.memref_slice %arg2[%dma_wait3A_38, %dma_wait3A_39] : memref<8192x1024xf32, #tpu.memory_space<hbm>> -> memref<8192x1024xf32, #tpu.memory_space<hbm>>
    tpu.wait_indirect_dma semaphore(%arg10 : memref<!tpu.dma_semaphore, #tpu.memory_space<semaphore_mem>>) src(%dma_wait3A_40 : memref<8192x1024xf32, #tpu.memory_space<hbm>>) dst(%arg7 : memref<32x1024xf32, #tpu.memory_space<vmem>>)
    %add3A_41 = arith.constant 32 : i32
    %add3A_42 = arith.addi %mul3A_2, %add3A_41 : i32
    %dma_start3A_43 = arith.constant 0 : i32
    %dma_start3A_44 = tpu.memref_slice %arg4[%add3A_42, %dma_start3A_43] : memref<4096x1024xf32, #tpu.memory_space<hbm>> -> memref<32x1024xf32, #tpu.memory_space<hbm>>
    %dma_start3A_45 = arith.constant 0 : i32
    %dma_start3A_46 = tpu.memref_slice %arg4[%add3A_42, %dma_start3A_45] : memref<4096x1024xf32, #tpu.memory_space<hbm>> -> memref<32x1024xf32, #tpu.memory_space<hbm>>
    tpu.enqueue_dma source(%arg7 : memref<32x1024xf32, #tpu.memory_space<vmem>>) target(%dma_start3A_46 : memref<32x1024xf32, #tpu.memory_space<hbm>>) target_semaphore(%arg13 : memref<!tpu.dma_semaphore, #tpu.memory_space<semaphore_mem>>)
    %dma_wait3A_47 = arith.constant 64 : i32
    %dma_wait3A_48 = tpu.memref_slice %arg5[%dma_wait3A_47] : memref<128xi32, #tpu.memory_space<vmem>> -> memref<32xi32, #tpu.memory_space<vmem>>
    %dma_wait3A_49 = arith.constant 0 : i32
    %dma_wait3A_50 = arith.constant 0 : i32
    %dma_wait3A_51 = tpu.memref_slice %arg2[%dma_wait3A_49, %dma_wait3A_50] : memref<8192x1024xf32, #tpu.memory_space<hbm>> -> memref<8192x1024xf32, #tpu.memory_space<hbm>>
    tpu.wait_indirect_dma semaphore(%arg11 : memref<!tpu.dma_semaphore, #tpu.memory_space<semaphore_mem>>) src(%dma_wait3A_51 : memref<8192x1024xf32, #tpu.memory_space<hbm>>) dst(%arg8 : memref<32x1024xf32, #tpu.memory_space<vmem>>)
    %add3A_52 = arith.constant 64 : i32
    %add3A_53 = arith.addi %mul3A_2, %add3A_52 : i32
    %dma_start3A_54 = arith.constant 0 : i32
    %dma_start3A_55 = tpu.memref_slice %arg4[%add3A_53, %dma_start3A_54] : memref<4096x1024xf32, #tpu.memory_space<hbm>> -> memref<32x1024xf32, #tpu.memory_space<hbm>>
    %dma_start3A_56 = arith.constant 0 : i32
    %dma_start3A_57 = tpu.memref_slice %arg4[%add3A_53, %dma_start3A_56] : memref<4096x1024xf32, #tpu.memory_space<hbm>> -> memref<32x1024xf32, #tpu.memory_space<hbm>>
    tpu.enqueue_dma source(%arg8 : memref<32x1024xf32, #tpu.memory_space<vmem>>) target(%dma_start3A_57 : memref<32x1024xf32, #tpu.memory_space<hbm>>) target_semaphore(%arg14 : memref<!tpu.dma_semaphore, #tpu.memory_space<semaphore_mem>>)
    %dma_wait3A_58 = arith.constant 96 : i32
    %dma_wait3A_59 = tpu.memref_slice %arg5[%dma_wait3A_58] : memref<128xi32, #tpu.memory_space<vmem>> -> memref<32xi32, #tpu.memory_space<vmem>>
    %dma_wait3A_60 = arith.constant 0 : i32
    %dma_wait3A_61 = arith.constant 0 : i32
    %dma_wait3A_62 = tpu.memref_slice %arg2[%dma_wait3A_60, %dma_wait3A_61] : memref<8192x1024xf32, #tpu.memory_space<hbm>> -> memref<8192x1024xf32, #tpu.memory_space<hbm>>
    tpu.wait_indirect_dma semaphore(%arg9 : memref<!tpu.dma_semaphore, #tpu.memory_space<semaphore_mem>>) src(%dma_wait3A_62 : memref<8192x1024xf32, #tpu.memory_space<hbm>>) dst(%arg6 : memref<32x1024xf32, #tpu.memory_space<vmem>>)
    %add3A_63 = arith.constant 96 : i32
    %add3A_64 = arith.addi %mul3A_2, %add3A_63 : i32
    %dma_start3A_65 = arith.constant 0 : i32
    %dma_start3A_66 = tpu.memref_slice %arg4[%add3A_64, %dma_start3A_65] : memref<4096x1024xf32, #tpu.memory_space<hbm>> -> memref<32x1024xf32, #tpu.memory_space<hbm>>
    %dma_start3A_67 = arith.constant 0 : i32
    %dma_start3A_68 = tpu.memref_slice %arg4[%add3A_64, %dma_start3A_67] : memref<4096x1024xf32, #tpu.memory_space<hbm>> -> memref<32x1024xf32, #tpu.memory_space<hbm>>
    tpu.enqueue_dma source(%arg6 : memref<32x1024xf32, #tpu.memory_space<vmem>>) target(%dma_start3A_68 : memref<32x1024xf32, #tpu.memory_space<hbm>>) target_semaphore(%arg12 : memref<!tpu.dma_semaphore, #tpu.memory_space<semaphore_mem>>)
    %dma_wait3A_69 = arith.constant 0 : i32
    %dma_wait3A_70 = tpu.memref_slice %arg4[%add3A_64, %dma_wait3A_69] : memref<4096x1024xf32, #tpu.memory_space<hbm>> -> memref<32x1024xf32, #tpu.memory_space<hbm>>
    %dma_wait3A_71 = arith.constant 0 : i32
    %dma_wait3A_72 = tpu.memref_slice %arg4[%add3A_64, %dma_wait3A_71] : memref<4096x1024xf32, #tpu.memory_space<hbm>> -> memref<32x1024xf32, #tpu.memory_space<hbm>>
    tpu.wait_dma2 semaphore(%arg12 : memref<!tpu.dma_semaphore, #tpu.memory_space<semaphore_mem>>) src(%arg6 : memref<32x1024xf32, #tpu.memory_space<vmem>>) dst(%dma_wait3A_72 : memref<32x1024xf32, #tpu.memory_space<hbm>>)
    %dma_wait3A_73 = arith.constant 0 : i32
    %dma_wait3A_74 = tpu.memref_slice %arg4[%add3A_42, %dma_wait3A_73] : memref<4096x1024xf32, #tpu.memory_space<hbm>> -> memref<32x1024xf32, #tpu.memory_space<hbm>>
    %dma_wait3A_75 = arith.constant 0 : i32
    %dma_wait3A_76 = tpu.memref_slice %arg4[%add3A_42, %dma_wait3A_75] : memref<4096x1024xf32, #tpu.memory_space<hbm>> -> memref<32x1024xf32, #tpu.memory_space<hbm>>
    tpu.wait_dma2 semaphore(%arg13 : memref<!tpu.dma_semaphore, #tpu.memory_space<semaphore_mem>>) src(%arg7 : memref<32x1024xf32, #tpu.memory_space<vmem>>) dst(%dma_wait3A_76 : memref<32x1024xf32, #tpu.memory_space<hbm>>)
    %dma_wait3A_77 = arith.constant 0 : i32
    %dma_wait3A_78 = tpu.memref_slice %arg4[%add3A_53, %dma_wait3A_77] : memref<4096x1024xf32, #tpu.memory_space<hbm>> -> memref<32x1024xf32, #tpu.memory_space<hbm>>
    %dma_wait3A_79 = arith.constant 0 : i32
    %dma_wait3A_80 = tpu.memref_slice %arg4[%add3A_53, %dma_wait3A_79] : memref<4096x1024xf32, #tpu.memory_space<hbm>> -> memref<32x1024xf32, #tpu.memory_space<hbm>>
    tpu.wait_dma2 semaphore(%arg14 : memref<!tpu.dma_semaphore, #tpu.memory_space<semaphore_mem>>) src(%arg8 : memref<32x1024xf32, #tpu.memory_space<vmem>>) dst(%dma_wait3A_80 : memref<32x1024xf32, #tpu.memory_space<hbm>>)
    return
  }
}

module attributes {stable_mosaic.version = 14 : i64} {
  func.func @_ffn_body(%arg0: i32, %arg1: memref<16xi32, #tpu.memory_space<smem>>, %arg2: memref<16xi32, #tpu.memory_space<smem>>, %arg3: memref<512x1024xf32, #tpu.memory_space<vmem>>, %arg4: memref<1x1024x1024xf32, #tpu.memory_space<vmem>>, %arg5: memref<1x1x1024xf32, #tpu.memory_space<vmem>>, %arg6: memref<1x1024x1024xf32, #tpu.memory_space<vmem>>, %arg7: memref<1x1x1024xf32, #tpu.memory_space<vmem>>, %arg8: memref<512x1024xf32, #tpu.memory_space<vmem>>) attributes {dimension_semantics = [#tpu.dimension_semantics<arbitrary>], iteration_bounds = array<i64: 16>, scalar_prefetch = 2 : i64, scratch_operands = 0 : i64, tpu.core_type = #tpu.core_type<tc>, window_params = [{transform_indices = @transform_0, window_bounds = array<i64: 512, 1024>}, {transform_indices = @transform_1, window_bounds = array<i64: 1, 1024, 1024>}, {transform_indices = @transform_2, window_bounds = array<i64: 1, 1, 1024>}, {transform_indices = @transform_3, window_bounds = array<i64: 1, 1024, 1024>}, {transform_indices = @transform_4, window_bounds = array<i64: 1, 1, 1024>}, {transform_indices = @transform_5, window_bounds = array<i64: 512, 1024>}]} {
    %get3A = arith.index_cast %arg0 : i32 to index
    %get3A_0 = memref.load %arg2[%get3A] : memref<16xi32, #tpu.memory_space<smem>>
    %eq3A = arith.constant 1 : i32
    %eq3A_1 = arith.cmpi eq, %get3A_0, %eq3A : i32
    %convert_element_type3A = arith.extui %eq3A_1 : i1 to i32
    %cond3A = arith.constant 0 : i32
    %cond3A_2 = arith.cmpi ne, %convert_element_type3A, %cond3A : i32
    scf.if %cond3A_2 {
      %get3A_3 = arith.constant 0 : index
      %get3A_4 = arith.constant 0 : index
      %get3A_5 = vector.load %arg3[%get3A_3, %get3A_4] : memref<512x1024xf32, #tpu.memory_space<vmem>>, vector<512x1024xf32>
      %convert_element_type3A_6 = arith.truncf %get3A_5 : vector<512x1024xf32> to vector<512x1024xbf16>
      %get3A_7 = arith.constant 0 : index
      %get3A_8 = arith.constant 0 : index
      %get3A_9 = arith.constant 0 : index
      %get3A_10 = vector.load %arg4[%get3A_7, %get3A_8, %get3A_9] : memref<1x1024x1024xf32, #tpu.memory_space<vmem>>, vector<1x1024x1024xf32>
      %get3A_11 = vector.shape_cast %get3A_10 : vector<1x1024x1024xf32> to vector<1024x1024xf32>
      %convert_element_type3A_12 = arith.truncf %get3A_11 : vector<1024x1024xf32> to vector<1024x1024xbf16>
      %dot_general3A = arith.constant dense<0.000000e+00> : vector<512x1024xf32>
      %dot_general3A_13 = tpu.matmul %convert_element_type3A_6, %convert_element_type3A_12, %dot_general3A {dimension_numbers = #tpu.dot_dimension_numbers<[1], [1], [0], [0], [0, 0, 1, 0], [], []>, transpose_lhs_hint = false} : vector<512x1024xbf16>, vector<1024x1024xbf16>, vector<512x1024xf32> -> vector<512x1024xf32>
      %get3A_14 = arith.constant 0 : index
      %get3A_15 = arith.constant 0 : index
      %get3A_16 = arith.constant 0 : index
      %get3A_17 = vector.load %arg5[%get3A_14, %get3A_15, %get3A_16] : memref<1x1x1024xf32, #tpu.memory_space<vmem>>, vector<1x1x1024xf32>
      %get3A_18 = vector.shape_cast %get3A_17 : vector<1x1x1024xf32> to vector<1x1024xf32>
      %add3A = vector.broadcast %get3A_18 : vector<1x1024xf32> to vector<512x1024xf32>
      %add3A_19 = arith.addf %dot_general3A_13, %add3A : vector<512x1024xf32>
      %max3A = arith.constant 0.000000e+00 : f32
      %max3A_20 = vector.broadcast %max3A : f32 to vector<512x1024xf32>
      %max3A_21 = arith.maximumf %add3A_19, %max3A_20 : vector<512x1024xf32>
      %convert_element_type3A_22 = arith.truncf %max3A_21 : vector<512x1024xf32> to vector<512x1024xbf16>
      %get3A_23 = arith.constant 0 : index
      %get3A_24 = arith.constant 0 : index
      %get3A_25 = arith.constant 0 : index
      %get3A_26 = vector.load %arg6[%get3A_23, %get3A_24, %get3A_25] : memref<1x1024x1024xf32, #tpu.memory_space<vmem>>, vector<1x1024x1024xf32>
      %get3A_27 = vector.shape_cast %get3A_26 : vector<1x1024x1024xf32> to vector<1024x1024xf32>
      %convert_element_type3A_28 = arith.truncf %get3A_27 : vector<1024x1024xf32> to vector<1024x1024xbf16>
      %dot_general3A_29 = arith.constant dense<0.000000e+00> : vector<512x1024xf32>
      %dot_general3A_30 = tpu.matmul %convert_element_type3A_22, %convert_element_type3A_28, %dot_general3A_29 {dimension_numbers = #tpu.dot_dimension_numbers<[1], [1], [0], [0], [0, 0, 1, 0], [], []>, transpose_lhs_hint = false} : vector<512x1024xbf16>, vector<1024x1024xbf16>, vector<512x1024xf32> -> vector<512x1024xf32>
      %get3A_31 = arith.constant 0 : index
      %get3A_32 = arith.constant 0 : index
      %get3A_33 = arith.constant 0 : index
      %get3A_34 = vector.load %arg7[%get3A_31, %get3A_32, %get3A_33] : memref<1x1x1024xf32, #tpu.memory_space<vmem>>, vector<1x1x1024xf32>
      %get3A_35 = vector.shape_cast %get3A_34 : vector<1x1x1024xf32> to vector<1x1024xf32>
      %add3A_36 = vector.broadcast %get3A_35 : vector<1x1024xf32> to vector<512x1024xf32>
      %add3A_37 = arith.addf %dot_general3A_30, %add3A_36 : vector<512x1024xf32>
      %swap3A = arith.constant 0 : index
      %swap3A_38 = arith.constant 0 : index
      %swap3A_39 = vector.load %arg8[%swap3A, %swap3A_38] : memref<512x1024xf32, #tpu.memory_space<vmem>>, vector<512x1024xf32>
      tpu.vector_store %arg8[%swap3A, %swap3A_38], %add3A_37 {strides = array<i32>} : memref<512x1024xf32, #tpu.memory_space<vmem>>, vector<512x1024xf32>,
    } else {
    }
    return
  }
  func.func @transform_0(%arg0: i32, %arg1: memref<16xi32, #tpu.memory_space<smem>>, %arg2: memref<16xi32, #tpu.memory_space<smem>>) -> (i32, i32) {
    %c0_i32 = arith.constant 0 : i32
    %c0_i32_0 = arith.constant 0 : i32
    return %arg0, %c0_i32 : i32, i32
  }
  func.func @transform_1(%arg0: i32, %arg1: memref<16xi32, #tpu.memory_space<smem>>, %arg2: memref<16xi32, #tpu.memory_space<smem>>) -> (i32, i32, i32) {
    %get3A = arith.index_cast %arg0 : i32 to index
    %get3A_0 = memref.load %arg1[%get3A] : memref<16xi32, #tpu.memory_space<smem>>
    %c0_i32 = arith.constant 0 : i32
    %c0_i32_1 = arith.constant 0 : i32
    %c0_i32_2 = arith.constant 0 : i32
    return %get3A_0, %c0_i32, %c0_i32_1 : i32, i32, i32
  }
  func.func @transform_2(%arg0: i32, %arg1: memref<16xi32, #tpu.memory_space<smem>>, %arg2: memref<16xi32, #tpu.memory_space<smem>>) -> (i32, i32, i32) {
    %get3A = arith.index_cast %arg0 : i32 to index
    %get3A_0 = memref.load %arg1[%get3A] : memref<16xi32, #tpu.memory_space<smem>>
    %c0_i32 = arith.constant 0 : i32
    %c0_i32_1 = arith.constant 0 : i32
    %c0_i32_2 = arith.constant 0 : i32
    return %get3A_0, %c0_i32, %c0_i32_1 : i32, i32, i32
  }
  func.func @transform_3(%arg0: i32, %arg1: memref<16xi32, #tpu.memory_space<smem>>, %arg2: memref<16xi32, #tpu.memory_space<smem>>) -> (i32, i32, i32) {
    %get3A = arith.index_cast %arg0 : i32 to index
    %get3A_0 = memref.load %arg1[%get3A] : memref<16xi32, #tpu.memory_space<smem>>
    %c0_i32 = arith.constant 0 : i32
    %c0_i32_1 = arith.constant 0 : i32
    %c0_i32_2 = arith.constant 0 : i32
    return %get3A_0, %c0_i32, %c0_i32_1 : i32, i32, i32
  }
  func.func @transform_4(%arg0: i32, %arg1: memref<16xi32, #tpu.memory_space<smem>>, %arg2: memref<16xi32, #tpu.memory_space<smem>>) -> (i32, i32, i32) {
    %get3A = arith.index_cast %arg0 : i32 to index
    %get3A_0 = memref.load %arg1[%get3A] : memref<16xi32, #tpu.memory_space<smem>>
    %c0_i32 = arith.constant 0 : i32
    %c0_i32_1 = arith.constant 0 : i32
    %c0_i32_2 = arith.constant 0 : i32
    return %get3A_0, %c0_i32, %c0_i32_1 : i32, i32, i32
  }
  func.func @transform_5(%arg0: i32, %arg1: memref<16xi32, #tpu.memory_space<smem>>, %arg2: memref<16xi32, #tpu.memory_space<smem>>) -> (i32, i32) {
    %c0_i32 = arith.constant 0 : i32
    %c0_i32_0 = arith.constant 0 : i32
    return %arg0, %c0_i32 : i32, i32
  }
}

</mosaic_0001>

<sc_bundles>
// kernel: kernel.5.cloned.1.call-start
scs
__scs_entry_jumppad:
0x0: {  	(pc) =	sbr.rel $0x88, $3  }
0x1: {  	(tag) =	ssettag $0x0;
	lr =	simm.s32 $0x1  }
0x2: {  	[smem:$0x3F9A] =	sst lr;
	_ =	strace $0xD0000000  }
0x3: {  	_ = 	snop  }
0x4: {  	_ = 	snop  }
0x5: {  	_ = 	snop  }
0x6: {  	_ = 	snop  }
0x7: {  	_ = 	snop  }
__scs_overlays_trampoline_lowered:
0x8: {  	[smem:$0x3FA9] =	sst s0  }
0x9: {  	[smem:$0x3FAA] =	sst s1  }
0xa: {  	[smem:$0x3FAB] =	sst s2  }
0xb: {  	[smem:$0x3FAC] =	sst s3  }
0xc: {  	[smem:$0x3FAD] =	sst s4  }
0xd: {  	[smem:$0x3FAE] =	sst s5  }
0xe: {  	[smem:$0x3FAF] =	sst s6  }
0xf: {  	[smem:$0x3FB0] =	sst s7  }
0x10: {  	[smem:$0x3FB1] =	sst s8  }
0x11: {  	[smem:$0x3FB2] =	sst s9;
	s0 =	simm.s32 @!p0 $0x0  }
0x12: {  	s1 =	sld [smem:$0x3F98];
	s0 =	simm.s32 @p0 $0x1  }
0x13: {  	[smem:$0x3FB3] =	sst s0;
	s0 =	simm.s32 @!p1 $0x0  }
0x14: {  	s2 =	sld [smem:$0x3F97];
	s0 =	simm.s32 @p1 $0x1  }
0x15: {  	[smem:$0x3FB4] =	sst s0;
	s0 =	simm.s32 @!p2 $0x0  }
0x16: {  	s3 =	sld [smem:$0x3FDB];
	s0 =	simm.s32 @p2 $0x1  }
0x17: {  	s4 =	simm.s32 $0x1BF5;
	[smem:$0x3FB6] =	sst s0  }
0x18: {  	s0 =	sld [smem:$0x3F99];
	_ =	swait.ge [sflag:s4], $0x0  }
0x19: {  	s7 =	sld [smem:$0x3F9A]  }
0x1a: {  	s8 =	sadd.s32 $0xFFFFE003, lr  }
0x1b: {  	s9 =	sadd.s32 $0xFFFFFEF7, lr;
	s5 =	simm.s32 $0xFFFFFFFF;
	p2 =	slt.u32 s8, $0xFFFFF086  }
0x1c: {  	p1 =	slt.u32 s9, $0xF7A;
	s5 =	simm.s32 @!p2 $0x0  }
0x1d: {  	s5 =	simm.s32 @p1 $0x1;
	p0 =	seq.s32 s7, s2  }
0x1e: {  	s7 =	smul.u32 @!p0 $0xF7A, s2;
	p2 =	seq.s32 @!p0 s5, $0x0  }
0x1f: {  	s9 =	smul.u32 $0xF7A, s1;
	s8 =	simm.s32 @!p0 $0x1BF5;
	p2 =	por !p2, p0  }
0x20: {  	[sflag:s8] =	ssyncset.s32 @!p0 $0xFFFFF086;
	s6 =	sadd.s32 @!p0 s3, s7;
	s7 =	simm.s32 @!p0 $0x108  }
0x21: {  	s3 =	sadd.s32 s3, s9;
	s6 =	sadd.s32 @!p0 $0x88, s6;
	s7 =	simm.s32 @p2 $0x1082  }
0x22: {  	[simem:s7], [sflag:s8] =	dma.local @!p0 [hbm:s6], $0xF7A  }
0x23: {  	s9 =	sor.u32 $0xD0000000, s2;
	s6 =	simm.s32 $0x108;
	_ =	swait.ge @!p0 [sflag:s8], $0x0  }
0x24: {  	s3 =	sadd.s32 $0x88, s3;
	s6 =	simm.s32 @!p1 $0x1082;
	[sflag:s4] =	ssyncset.s32 $0xFFFFF086  }
0x25: {  	[simem:s6], [sflag:s4] =	dma.local [hbm:s3], $0xF7A  }
0x26: {  	[smem:$0x3F9A] =	sst s1;
	(tag) =	ssettag s2;
	_ =	strace s9  }
0x27: {  	s1 =	sld [smem:$0x3FAA]  }
0x28: {  	s2 =	sld [smem:$0x3FAB]  }
0x29: {  	s4 =	sld [smem:$0x3FAD]  }
0x2a: {  	p0 =	seq.s32 s5, $0x0;
	s5 =	sld [smem:$0x3FAE]  }
0x2b: {  	s6 =	sld [smem:$0x3FAF]  }
0x2c: {  	s7 =	sld [smem:$0x3FB0]  }
0x2d: {  	s3 =	simm.s32 $0x108;
	s8 =	sld [smem:$0x3FB1]  }
0x2e: {  	s3 =	simm.s32 @!p0 $0x1082;
	s9 =	sld [smem:$0x3FB2]  }
0x2f: {  	lr =	sadd.s32 s0, s3;
	s0 =	sld [smem:$0x3FA9]  }
0x30: {  	s3 =	sld [smem:$0x3FAC]  }
0x31: {  	[smem:$0x3FB5] =	sst s10  }
0x32: {  	s10 =	sld [smem:$0x3FB3];
	_ =	sdelay $0x3  }
0x33: {  	p0 =	seq.s32 s10, $0x1;
	s10 =	sld [smem:$0x3FB5];
	_ =	sdelay $0x3  }
0x34: {  	[smem:$0x3FB5] =	sst s10  }
0x35: {  	s10 =	sld [smem:$0x3FB4];
	_ =	sdelay $0x3  }
0x36: {  	p1 =	seq.s32 s10, $0x1;
	s10 =	sld [smem:$0x3FB5];
	_ =	sdelay $0x3  }
0x37: {  	[smem:$0x3FB5] =	sst s10  }
0x38: {  	s10 =	sld [smem:$0x3FB6]  }
0x39: {  	_ = 	snop;
	(pc) =	sbr.ind lr, $3  }
0x3a: {  	_ = 	snop  }
0x3b: {  	_ = 	snop  }
0x3c: {  	p2 =	seq.s32 s10, $0x1;
	s10 =	sld [smem:$0x3FB5]  }
0x3d: {  	_ =	shalt  }
0x3e: {  	_ =	shalt  }
0x3f: {  	_ =	shalt  }
0x40: {  	_ =	shalt  }
0x41: {  	_ =	shalt  }
0x42: {  	_ =	shalt  }
0x43: {  	_ =	shalt  }
0x44: {  	_ =	shalt  }
0x45: {  	_ =	shalt  }
0x46: {  	_ =	shalt  }
0x47: {  	_ =	shalt  }
0x48: {  	_ =	shalt  }
0x49: {  	_ =	shalt  }
0x4a: {  	_ =	shalt  }
0x4b: {  	_ =	shalt  }
0x4c: {  	_ =	shalt  }
0x4d: {  	_ =	shalt  }
0x4e: {  	_ =	shalt  }
0x4f: {  	_ =	shalt  }
0x50: {  	_ =	shalt  }
0x51: {  	_ =	shalt  }
0x52: {  	_ =	shalt  }
0x53: {  	_ =	shalt  }
0x54: {  	_ =	shalt  }
0x55: {  	_ =	shalt  }
0x56: {  	_ =	shalt  }
0x57: {  	_ =	shalt  }
0x58: {  	_ =	shalt  }
0x59: {  	_ =	shalt  }
0x5a: {  	_ =	shalt  }
0x5b: {  	_ =	shalt  }
0x5c: {  	_ =	shalt  }
0x5d: {  	_ =	shalt  }
0x5e: {  	_ =	shalt  }
0x5f: {  	_ =	shalt  }
0x60: {  	_ =	shalt  }
0x61: {  	_ =	shalt  }
0x62: {  	_ =	shalt  }
0x63: {  	_ =	shalt  }
0x64: {  	_ =	shalt  }
0x65: {  	_ =	shalt  }
0x66: {  	_ =	shalt  }
0x67: {  	_ =	shalt  }
0x68: {  	_ =	shalt  }
0x69: {  	_ =	shalt  }
0x6a: {  	_ =	shalt  }
0x6b: {  	_ =	shalt  }
0x6c: {  	_ =	shalt  }
0x6d: {  	_ =	shalt  }
0x6e: {  	_ =	shalt  }
0x6f: {  	_ =	shalt  }
0x70: {  	_ =	shalt  }
0x71: {  	_ =	shalt  }
0x72: {  	_ =	shalt  }
0x73: {  	_ =	shalt  }
0x74: {  	_ =	shalt  }
0x75: {  	_ =	shalt  }
0x76: {  	_ =	shalt  }
0x77: {  	_ =	shalt  }
0x78: {  	_ =	shalt  }
0x79: {  	_ =	shalt  }
0x7a: {  	_ =	shalt  }
0x7b: {  	_ =	shalt  }
0x7c: {  	_ =	shalt  }
0x7d: {  	_ =	shalt  }
0x7e: {  	_ =	shalt  }
0x7f: {  	_ =	shalt  }
0x80: {  	_ =	shalt  }
0x81: {  	_ =	shalt  }
0x82: {  	_ =	shalt  }
0x83: {  	_ =	shalt  }
0x84: {  	_ =	shalt  }
0x85: {  	_ =	shalt  }
0x86: {  	_ =	shalt  }
0x87: {  	_ =	shalt  }
.Lfunc_end0:
.L_simem_size_0:
called_computation_lowered:
.L_overlay_start_0:
0x88: {  	s2 =	sld [smem:$0x3FD9]  }
0x89: {  	s3 =	sld [smem:$0x3FFE];
	_ =	sdelay $0x1  }
0x8a: {  	s1 =	srdreg.scid  }
0x8b: {  	s0 =	sand.u32 $0x1, s1  }
0x8c: {  	s14 =	sshll.u32 s0, $0xA;
	s2 =	sadd.s32 s3, s2  }
0x8d: {  	s2 =	sadd.s32 s2, s14  }
0x8e: {  	[smem:$0x3FC1] =	sst s2  }
0x8f: {  	_ = 	snop  }
0x90: {  	s2 =	sld [smem:$0x3FD0];
	_ =	sdelay $0x2  }
0x91: {  	s4 =	simm.s32 $0xA;
	s5 =	simm.s32 $0x10;
	s15 =	sld [smem:$0x3FC9]  }
0x92: {  	[smem:s5], [sflag:s4] =	dma.local [hbm:s2], $0x1  }
0x93: {  	_ =	swait.eq [sflag:s4], $0x1  }
0x94: {  	[sflag:s4] =	ssyncset.done $0x0  }
0x95: {  	[sflag:s4] =	ssyncadd.s32 $0xFFFFFFFF  }
0x96: {  	s16 =	sld [smem:$0x10];
	(tm) =	ssettm $0x1  }
0x97: {  	s17 =	sld [smem:$0x3FFB];
	_ =	sdelay $0x3  }
0x98: {  	_ =	strace s17  }
0x99: {  	s4 =	sld [smem:$0x3FFC];
	_ =	sdelay $0x3  }
0x9a: {  	_ =	strace s4  }
0x9b: {  	s4 =	sld [smem:$0x3FFD];
	_ =	sdelay $0x3  }
0x9c: {  	_ =	strace s4  }
0x9d: {  	_ =	strace $0x8FFFFFFF  }
0x9e: {  	s18 =	sld [smem:$0x3FDB];
	_ =	sdelay $0x1  }
0x9f: {  	s19 =	simm.s32 $_scs_section_size  }
0xa0: {  	s6 =	simm.s32 $_size__tile_overlayer_lowered;
	s7 =	simm.s32 $_tile_overlayer_lowered  }
0xa1: {  	s22 =	simm.s32 $0x1BFF;
	s21 =	sshll.u32 s7, $0x1;
	s4 =	sadd.s32 s19, s18  }
0xa2: {  	s8 =	simm.s32 $0x0;
	s20 =	sshll.u32 s6, $0x1;
	s6 =	sadd.s32 s21, s4  }
0xa3: {  	[timem:s8], [sflag:s22] =	dma.local [hbm:s6], s20  }
0xa4: {  	_ =	swait.ge [sflag:s22], s20  }
0xa5: {  	s5 =	ssub.s32 $0x0, s20;
	[sflag:s22] =	ssyncset.done $0x0  }
0xa6: {  	[sflag:s22] =	ssyncadd.s32 s5;
	_ =	sdelay $0x1  }
0xa7: {  	s23 =	simm.s32 $0x1B8B  }
0xa8: {  	_ =	swait.ge [sflag:s23], $0x1  }
0xa9: {  	[sflag:s23] =	ssyncset.done $0x0  }
0xaa: {  	s25 =	simm.s32 $0x1B8E;
	s24 =	sld [smem:$0x3FFE];
	[sflag:s23] =	ssyncadd.s32 $0xFFFFFFFF  }
0xab: {  	s26 =	simm.s32 $execute0_lowered;
	[smem:$0x3FD2] =	sst s25  }
0xac: {  	s6 =	sshll.u32 s26, $0x1;
	_ =	strace $0x80000046;
	[dreg:$0x1] =	wrdreg $0xFFFFFFFF  }
0xad: {  	s28 =	simm.s32 $_size_execute0_lowered;
	s4 =	sadd.s32 s4, s6;
	[dreg:$0x0] =	wrdreg $0x0  }
0xae: {  	s6 =	sshll.u32 s28, $0x1;
	[dreg:$0x2] =	wrdreg s4  }
0xaf: {  	[dreg:$0x3] =	wrdreg s6  }
0xb0: {  	[dreg:$0x4] =	wrdreg $0xC0  }
0xb1: {  	_ =	task [dreg:s8], $0x5FFFF  }
0xb2: {  	[dreg:$0x1] =	wrdreg $0xFFFFFFFF  }
0xb3: {  	[dreg:$0x0] =	wrdreg $0x60  }
0xb4: {  	[dreg:$0x2] =	wrdreg s15  }
0xb5: {  	[dreg:$0x3] =	wrdreg s16  }
0xb6: {  	[dreg:$0x4] =	wrdreg s24  }
0xb7: {  	[dreg:$0x5] =	wrdreg $0x9  }
0xb8: {  	_ =	task.clear_ibuf [dreg:s8], $0x6FFFF;
	_ =	strace $0x90000046  }
0xb9: {  	s29 =	simm.s32 $0x9;
	_ =	strace $0x80000048  }
0xba: {  	_ =	swait.ge [sflag:s29], $0x1  }
0xbb: {  	[sflag:s29] =	ssyncadd.s32 $0xFFFFFFFF  }
0xbc: {  	_ =	strace $0x90000048  }
0xbd: {  	_ =	sfence  }
0xbe: {  	s30 =	sld [smem:$0x0];
	_ =	sdelay $0x2  }
0xbf: {  	s31 =	sshll.u32 s1, $0xD;
	s1 =	sshrl.u32 s1, $0x2  }
0xc0: {  	s3 =	sand.u32 $0x4000, s31;
	s1 =	sadd.s32 s1, s30  }
0xc1: {  	s0 =	sor.u32 s3, s0;
	s1 =	sshll.u32 s1, $0x11  }
0xc2: {  	s0 =	sor.u32 s1, s0  }
0xc3: {  	s0 =	sadd.s32 $0x8F2B, s0  }
0xc4: {  	[sflag:s0] =	ssyncadd.remote.s32 $0x1  }
0xc5: {  	_ =	sfence.sel $0xFFFF  }
0xc6: {  	[dreg:$0x0] =	wrdreg $0xFFFFFFFF;
	(pc) =	sbr.abs _section_cstart, $3  }
0xc7: {  	[dreg:$0x1] =	wrdreg $0xFFFFFFFF  }
0xc8: {  	_ =	task.clear_ibuf [dreg:s8], $0x2FFFF;
	_ =	strace $0x9FFFFFFF  }
0xc9: {  	(tm) =	ssettm $0x7FFFFFFF  }
tec
execute0_lowered:
.L_overlay_start_1:
0x0: {  	(tag) =	ssettag $0x1  }
0x1: {  	s0 =	rddreg [dreg:$0x0]  }
0x2: {  	s1 =	rddreg [dreg:$0x1];
	s2 =	srdreg.scid  }
0x3: {  	s3 =	rddreg [dreg:$0x2];
	s5 =	sand.u32 $0x1, s2;
	s2 =	simm.s32 $0x0  }
0x4: {  	s17 =	simm.s32 $0x8A00;
	[smem:$0x7FF] =	sst s2  }
0x5: {  	s18 =	simm.s32 $0x9200;
	_ =	strace $0x80000047;
	[dreg:$0x8] =	wrdreg s17  }
0x6: {  	s19 =	simm.s32 $0x9A00;
	[dreg:$0x9] =	wrdreg s18  }
0x7: {  	s20 =	simm.s32 $0xA200;
	[dreg:$0xa] =	wrdreg s19  }
0x8: {  	s21 =	simm.s32 $0xAA00;
	[dreg:$0xb] =	wrdreg s20  }
0x9: {  	s22 =	simm.s32 $0xB200;
	[dreg:$0xc] =	wrdreg s21  }
0xa: {  	s23 =	simm.s32 $0xBA00;
	[dreg:$0xd] =	wrdreg s22  }
0xb: {  	s24 =	simm.s32 $0xC200;
	[dreg:$0xe] =	wrdreg s23  }
0xc: {  	s4 =	stileid.u32;
	s25 =	simm.s32 $0xCA00;
	[dreg:$0xf] =	wrdreg s24  }
0xd: {  	s7 =	simm.s32 $0xDA00;
	s8 =	simm.s32 $0xE200;
	[dreg:$0x10] =	wrdreg s25  }
0xe: {  	s9 =	simm.s32 $0xEA00;
	s10 =	simm.s32 $0xF200;
	[dreg:$0x12] =	wrdreg s7  }
0xf: {  	s11 =	simm.s32 $0xFA00;
	s12 =	simm.s32 $0x10A00;
	[dreg:$0x13] =	wrdreg s8  }
0x10: {  	s13 =	simm.s32 $0x11200;
	s14 =	simm.s32 $0x11A00;
	[dreg:$0x14] =	wrdreg s9  }
0x11: {  	s30 =	simm.s32 $0x4;
	s28 =	simm.s32 $0x6200;
	[dreg:$0x15] =	wrdreg s10  }
0x12: {  	s29 =	simm.s32 $0x6A00;
	s4 =	sshll.u32 s4, $0x1;
	[dreg:$0x16] =	wrdreg s11  }
0x13: {  	s31 =	simm.s32 $0x7A00;
	s4 =	sor.u32 s5, s4;
	[dreg:$0x17] =	wrdreg s12  }
0x14: {  	s26 =	ssub.s32 $0x2, s5;
	s6 =	sshll.u32 s4, $0x6;
	[dreg:$0x18] =	wrdreg s13  }
0x15: {  	s4 =	sshll.u32 s4, $0xE;
	[dreg:$0x19] =	wrdreg s14;
	s17 =	simm.s32 $0x13200  }
0x16: {  	s5 =	sshrl.u32 s26, $0x1;
	s18 =	simm.s32 $0x13A00;
	[dreg:$0x1c] =	wrdreg s17  }
0x17: {  	s7 =	sadd.s32 $0x500, s3;
	s19 =	simm.s32 $0x14200;
	[dreg:$0x1d] =	wrdreg s18  }
0x18: {  	s10 =	simm.s32 $0x200;
	s20 =	simm.s32 $0x14A00;
	[dreg:$0x1e] =	wrdreg s19  }
0x19: {  	s13 =	simm.s32 $0x1;
	s21 =	simm.s32 $0x15200;
	[dreg:$0x1f] =	wrdreg s20  }
0x1a: {  	s22 =	simm.s32 $0x15A00;
	s23 =	simm.s32 $0x16200;
	[smem:$0x7F8] =	sst s21  }
0x1b: {  	s24 =	simm.s32 $0x16A00;
	s25 =	simm.s32 $0x17200;
	[smem:$0x7F9] =	sst s22  }
0x1c: {  	s14 =	simm.s32 $0x8200;
	s1 =	sadd.s32 s1, s6;
	[smem:$0x7FA] =	sst s23  }
0x1d: {  	s4 =	sadd.s32 s0, s4;
	s6 =	simm.s32 $0xD200;
	[smem:$0x7FB] =	sst s24  }
0x1e: {  	[smem:$0x7FC] =	sst s25;
	s17 =	simm.s32 $0x1200;
	s18 =	simm.s32 $0x1A00  }
0x1f: {  	s19 =	simm.s32 $0x2200;
	s20 =	simm.s32 $0x2A00;
	s21 =	simm.s32 $0x3200  }
0x20: {  	s22 =	simm.s32 $0x3A00;
	s23 =	simm.s32 $0x4200;
	s24 =	simm.s32 $0x4A00  }
0x21: {  	s25 =	simm.s32 $0x5200;
	[dreg:$0x4] =	wrdreg s1;
	s0 =	sadd.s32 $0x1000, s4  }
0x22: {  	s15 =	sadd.s32 $0x2000, s4;
	[smem:$0x7F7] =	sst s4;
	s16 =	sadd.s32 $0x3000, s4  }
0x23: {  	s4 =	sadd.s32 $0x200, s3;
	[dreg:$0x11] =	wrdreg s6;
	s1 =	ssub.s32 s26, s5  }
0x24: {  	s5 =	sadd.s32 $0x300, s3;
	s6 =	sadd.s32 $0x400, s3;
	[dreg:$0x5] =	wrdreg s0  }
0x25: {  	s26 =	simm.s32 $0x17A00;
	s3 =	simm.s32 $0x6;
	[dreg:$0x6] =	wrdreg s15  }
0x26: {  	[dreg:$0x7] =	wrdreg s16;
	s8 =	smax.u32 s1, $0x1;
	s15 =	simm.s32 $0x12200  }
0x27: {  	v2 =	vlaneseq.u32;
	s16 =	simm.s32 $0x12A00;
	[smem:$0x7FD] =	sst s26;
	s1 =	simm.s32 $0x3  }
0x28: {  	vm0 =	vmmov $0xffff;
	v1 =	vshrl.u32 v2, $0x3;
	s0 =	simm.s32 $0x5;
	s26 =	simm.s32 $0x5A00;
	[dreg:$0x1a] =	wrdreg s15  }
0x29: {  	v0 =	vand.u32 $0x7, v2;
	v2 =	vor.u32 $0x8, v2;
	v1 =	vmul.u32 $0x8, v1;
	[dreg:$0x1b] =	wrdreg s16;
	s15 =	simm.s32 $0x10200;
	s16 =	simm.s32 $0xA00  }
.LBB2_1:
0x2a: {  	s11 =	rddreg [dreg:$0x4];
	s9 =	simm.s32 $0x7  }
0x2b: {  	[tilespmem:s2], [sflag:$0x7] =	stream.linear.gather [hbm4b:s11+s2], $0x200, $0x38;
	[tilespmem:$0x18200] =	vst v63  }
0x2c: {  	_ =	swait.ge [sflag:s9], $0x200  }
0x2d: {  	s12 =	sld [smem:$0x7F7]  }
0x2e: {  	[sflag:s9] =	ssyncset.done $0x0  }
0x2f: {  	[sflag:s9] =	ssyncadd.s32 $0xFFFFFE00  }
0x30: {  	[tilespmem:s10], [sflag:$0x1] =	stream.linear.gather [hbm4b:s12+s2], $0x8000, $0x38;
	[tilespmem:$0x18200] =	vst v63  }
0x31: {  	s11 =	rddreg [dreg:$0x5]  }
0x32: {  	[tilespmem:s14], [sflag:$0x2] =	stream.linear.gather [hbm4b:s11+s2], $0x8000, $0x38;
	[tilespmem:$0x18200] =	vst v63  }
0x33: {  	s9 =	rddreg [dreg:$0x6]  }
0x34: {  	[tilespmem:s15], [sflag:$0x3] =	stream.linear.gather [hbm4b:s9+s2], $0x8000, $0x38;
	[tilespmem:$0x18200] =	vst v63  }
0x35: {  	_ =	swait.ge [sflag:s13], $0x8000  }
0x36: {  	[sflag:s13] =	ssyncset.done $0x0  }
0x37: {  	[sflag:s13] =	ssyncadd.s32 $0xFFFF8000  }
0x38: {  	v3 =	vld [tilespmem:$0x0];
	_ =	sdelay $0x4  }
0x39: {  	v4 =	vshll.u32 v3, $0x3  }
0x3a: {  	v3 =	vand.u32 $0x7, v3;
	v4 =	vand.u32 $0xFFFFFFC0, v4  }
0x3b: {  	v3 =	vor.u32 v3, v4  }
0x3c: {  	v4 =	vperm.xlane v3, v0;
	_ =	sdelay $0x1  }
0x3d: {  	v4 =	vadd.s32 v1, v4;
	_ =	sdelay $0x4  }
0x3e: {  	[hbm4b:s4+s2] =	stream.indirect_vreg.scatter [tilespmem:s10], [sflag:$0x4], $0x80, v4, vm0, $0xb8;
	[tilespmem:$0x18200] =	vst v63  }
0x3f: {  	v3 =	vperm.xlane v3, v2  }
0x40: {  	[hbm4b:s5+s2] =	stream.indirect_vreg.scatter [tilespmem:s16], [sflag:$0x4], $0x80, v4, vm0, $0xb8;
	[tilespmem:$0x18200] =	vst v63  }
0x41: {  	v3 =	vadd.s32 v1, v3  }
0x42: {  	[hbm4b:s6+s2] =	stream.indirect_vreg.scatter [tilespmem:s17], [sflag:$0x4], $0x80, v4, vm0, $0xb8;
	[tilespmem:$0x18200] =	vst v63  }
0x43: {  	_ = 	snop  }
0x44: {  	[hbm4b:s7+s2] =	stream.indirect_vreg.scatter [tilespmem:s18], [sflag:$0x4], $0x80, v4, vm0, $0xb8;
	[tilespmem:$0x18200] =	vst v63  }
0x45: {  	_ = 	snop  }
0x46: {  	[hbm4b:s4+s2] =	stream.indirect_vreg.scatter [tilespmem:s19], [sflag:$0x4], $0x80, v3, vm0, $0xb8;
	[tilespmem:$0x18200] =	vst v63  }
0x47: {  	_ = 	snop  }
0x48: {  	[hbm4b:s5+s2] =	stream.indirect_vreg.scatter [tilespmem:s20], [sflag:$0x4], $0x80, v3, vm0, $0xb8;
	[tilespmem:$0x18200] =	vst v63  }
0x49: {  	_ = 	snop  }
0x4a: {  	[hbm4b:s6+s2] =	stream.indirect_vreg.scatter [tilespmem:s21], [sflag:$0x4], $0x80, v3, vm0, $0xb8;
	[tilespmem:$0x18200] =	vst v63  }
0x4b: {  	_ = 	snop  }
0x4c: {  	[hbm4b:s7+s2] =	stream.indirect_vreg.scatter [tilespmem:s22], [sflag:$0x4], $0x80, v3, vm0, $0xb8;
	[tilespmem:$0x18200] =	vst v63  }
0x4d: {  	v3 =	vld [tilespmem:$0x10];
	_ =	sdelay $0x4  }
0x4e: {  	v57 =	vshll.u32 v3, $0x3  }
0x4f: {  	v3 =	vand.u32 $0x7, v3;
	v4 =	vand.u32 $0xFFFFFFC0, v57  }
0x50: {  	v3 =	vor.u32 v3, v4  }
0x51: {  	v4 =	vperm.xlane v3, v0;
	_ =	sdelay $0x1  }
0x52: {  	v4 =	vadd.s32 v1, v4;
	_ =	sdelay $0x4  }
0x53: {  	[hbm4b:s4+s2] =	stream.indirect_vreg.scatter [tilespmem:s23], [sflag:$0x4], $0x80, v4, vm0, $0xb8;
	[tilespmem:$0x18200] =	vst v63  }
0x54: {  	v3 =	vperm.xlane v3, v2  }
0x55: {  	[hbm4b:s5+s2] =	stream.indirect_vreg.scatter [tilespmem:s24], [sflag:$0x4], $0x80, v4, vm0, $0xb8;
	[tilespmem:$0x18200] =	vst v63  }
0x56: {  	v3 =	vadd.s32 v1, v3  }
0x57: {  	[hbm4b:s6+s2] =	stream.indirect_vreg.scatter [tilespmem:s25], [sflag:$0x4], $0x80, v4, vm0, $0xb8;
	[tilespmem:$0x18200] =	vst v63  }
0x58: {  	_ = 	snop  }
0x59: {  	[hbm4b:s7+s2] =	stream.indirect_vreg.scatter [tilespmem:s26], [sflag:$0x4], $0x80, v4, vm0, $0xb8;
	[tilespmem:$0x18200] =	vst v63  }
0x5a: {  	_ = 	snop  }
0x5b: {  	[hbm4b:s4+s2] =	stream.indirect_vreg.scatter [tilespmem:s28], [sflag:$0x4], $0x80, v3, vm0, $0xb8;
	[tilespmem:$0x18200] =	vst v63  }
0x5c: {  	_ = 	snop  }
0x5d: {  	[hbm4b:s5+s2] =	stream.indirect_vreg.scatter [tilespmem:s29], [sflag:$0x4], $0x80, v3, vm0, $0xb8;
	[tilespmem:$0x18200] =	vst v63  }
0x5e: {  	s9 =	simm.s32 $0x7200  }
0x5f: {  	[hbm4b:s6+s2] =	stream.indirect_vreg.scatter [tilespmem:s9], [sflag:$0x4], $0x80, v3, vm0, $0xb8;
	[tilespmem:$0x18200] =	vst v63  }
0x60: {  	_ = 	snop  }
0x61: {  	[hbm4b:s7+s2] =	stream.indirect_vreg.scatter [tilespmem:s31], [sflag:$0x4], $0x80, v3, vm0, $0xb8;
	[tilespmem:$0x18200] =	vst v63  }
0x62: {  	_ =	swait.ge [sflag:s30], $0x8000  }
0x63: {  	[sflag:s30] =	ssyncset.done $0x0  }
0x64: {  	s12 =	rddreg [dreg:$0x7];
	[sflag:s30] =	ssyncadd.s32 $0xFFFF8000  }
0x65: {  	[tilespmem:s10], [sflag:$0x1] =	stream.linear.gather [hbm4b:s12+s2], $0x8000, $0x38;
	[tilespmem:$0x18200] =	vst v63  }
0x66: {  	s12 =	simm.s32 $0x2  }
0x67: {  	_ =	swait.ge [sflag:s12], $0x8000  }
0x68: {  	[sflag:s12] =	ssyncset.done $0x0  }
0x69: {  	[sflag:s12] =	ssyncadd.s32 $0xFFFF8000  }
0x6a: {  	v3 =	vld [tilespmem:$0x80];
	_ =	sdelay $0x4  }
0x6b: {  	v58 =	vshll.u32 v3, $0x3  }
0x6c: {  	v3 =	vand.u32 $0x7, v3;
	v4 =	vand.u32 $0xFFFFFFC0, v58  }
0x6d: {  	v3 =	vor.u32 v3, v4  }
0x6e: {  	v4 =	vperm.xlane v3, v0;
	_ =	sdelay $0x1  }
0x6f: {  	v4 =	vadd.s32 v1, v4;
	_ =	sdelay $0x4  }
0x70: {  	[hbm4b:s4+s2] =	stream.indirect_vreg.scatter [tilespmem:s14], [sflag:$0x5], $0x80, v4, vm0, $0xb8;
	[tilespmem:$0x18200] =	vst v63  }
0x71: {  	s11 =	rddreg [dreg:$0x8];
	v3 =	vperm.xlane v3, v2  }
0x72: {  	[hbm4b:s5+s2] =	stream.indirect_vreg.scatter [tilespmem:s11], [sflag:$0x5], $0x80, v4, vm0, $0xb8;
	[tilespmem:$0x18200] =	vst v63  }
0x73: {  	s12 =	rddreg [dreg:$0x9];
	v3 =	vadd.s32 v1, v3  }
0x74: {  	[hbm4b:s6+s2] =	stream.indirect_vreg.scatter [tilespmem:s12], [sflag:$0x5], $0x80, v4, vm0, $0xb8;
	[tilespmem:$0x18200] =	vst v63  }
0x75: {  	s11 =	rddreg [dreg:$0xa]  }
0x76: {  	[hbm4b:s7+s2] =	stream.indirect_vreg.scatter [tilespmem:s11], [sflag:$0x5], $0x80, v4, vm0, $0xb8;
	[tilespmem:$0x18200] =	vst v63  }
0x77: {  	s12 =	rddreg [dreg:$0xb]  }
0x78: {  	[hbm4b:s4+s2] =	stream.indirect_vreg.scatter [tilespmem:s12], [sflag:$0x5], $0x80, v3, vm0, $0xb8;
	[tilespmem:$0x18200] =	vst v63  }
0x79: {  	s11 =	rddreg [dreg:$0xc]  }
0x7a: {  	[hbm4b:s5+s2] =	stream.indirect_vreg.scatter [tilespmem:s11], [sflag:$0x5], $0x80, v3, vm0, $0xb8;
	[tilespmem:$0x18200] =	vst v63  }
0x7b: {  	s12 =	rddreg [dreg:$0xd]  }
0x7c: {  	[hbm4b:s6+s2] =	stream.indirect_vreg.scatter [tilespmem:s12], [sflag:$0x5], $0x80, v3, vm0, $0xb8;
	[tilespmem:$0x18200] =	vst v63  }
0x7d: {  	s11 =	rddreg [dreg:$0xe]  }
0x7e: {  	[hbm4b:s7+s2] =	stream.indirect_vreg.scatter [tilespmem:s11], [sflag:$0x5], $0x80, v3, vm0, $0xb8;
	[tilespmem:$0x18200] =	vst v63  }
0x7f: {  	v3 =	vld [tilespmem:$0x90];
	_ =	sdelay $0x4  }
0x80: {  	v59 =	vshll.u32 v3, $0x3  }
0x81: {  	v3 =	vand.u32 $0x7, v3;
	v4 =	vand.u32 $0xFFFFFFC0, v59  }
0x82: {  	v3 =	vor.u32 v3, v4  }
0x83: {  	v4 =	vperm.xlane v3, v0;
	_ =	sdelay $0x1  }
0x84: {  	v4 =	vadd.s32 v1, v4;
	_ =	sdelay $0x3  }
0x85: {  	s11 =	rddreg [dreg:$0xf]  }
0x86: {  	[hbm4b:s4+s2] =	stream.indirect_vreg.scatter [tilespmem:s11], [sflag:$0x5], $0x80, v4, vm0, $0xb8;
	[tilespmem:$0x18200] =	vst v63  }
0x87: {  	s12 =	rddreg [dreg:$0x10];
	v3 =	vperm.xlane v3, v2  }
0x88: {  	[hbm4b:s5+s2] =	stream.indirect_vreg.scatter [tilespmem:s12], [sflag:$0x5], $0x80, v4, vm0, $0xb8;
	[tilespmem:$0x18200] =	vst v63  }
0x89: {  	v3 =	vadd.s32 v1, v3;
	s11 =	rddreg [dreg:$0x11]  }
0x8a: {  	[hbm4b:s6+s2] =	stream.indirect_vreg.scatter [tilespmem:s11], [sflag:$0x5], $0x80, v4, vm0, $0xb8;
	[tilespmem:$0x18200] =	vst v63  }
0x8b: {  	s12 =	rddreg [dreg:$0x12]  }
0x8c: {  	[hbm4b:s7+s2] =	stream.indirect_vreg.scatter [tilespmem:s12], [sflag:$0x5], $0x80, v4, vm0, $0xb8;
	[tilespmem:$0x18200] =	vst v63  }
0x8d: {  	s11 =	rddreg [dreg:$0x13]  }
0x8e: {  	[hbm4b:s4+s2] =	stream.indirect_vreg.scatter [tilespmem:s11], [sflag:$0x5], $0x80, v3, vm0, $0xb8;
	[tilespmem:$0x18200] =	vst v63  }
0x8f: {  	s12 =	rddreg [dreg:$0x14]  }
0x90: {  	[hbm4b:s5+s2] =	stream.indirect_vreg.scatter [tilespmem:s12], [sflag:$0x5], $0x80, v3, vm0, $0xb8;
	[tilespmem:$0x18200] =	vst v63  }
0x91: {  	s11 =	rddreg [dreg:$0x15]  }
0x92: {  	[hbm4b:s6+s2] =	stream.indirect_vreg.scatter [tilespmem:s11], [sflag:$0x5], $0x80, v3, vm0, $0xb8;
	[tilespmem:$0x18200] =	vst v63  }
0x93: {  	s12 =	rddreg [dreg:$0x16]  }
0x94: {  	[hbm4b:s7+s2] =	stream.indirect_vreg.scatter [tilespmem:s12], [sflag:$0x5], $0x80, v3, vm0, $0xb8;
	[tilespmem:$0x18200] =	vst v63  }
0x95: {  	_ =	swait.ge [sflag:s1], $0x8000  }
0x96: {  	[sflag:s1] =	ssyncset.done $0x0  }
0x97: {  	[sflag:s1] =	ssyncadd.s32 $0xFFFF8000  }
0x98: {  	v3 =	vld [tilespmem:$0x100];
	_ =	sdelay $0x4  }
0x99: {  	v60 =	vshll.u32 v3, $0x3  }
0x9a: {  	v3 =	vand.u32 $0x7, v3;
	v4 =	vand.u32 $0xFFFFFFC0, v60  }
0x9b: {  	v3 =	vor.u32 v3, v4  }
0x9c: {  	v4 =	vperm.xlane v3, v0;
	_ =	sdelay $0x1  }
0x9d: {  	v4 =	vadd.s32 v1, v4;
	_ =	sdelay $0x4  }
0x9e: {  	[hbm4b:s4+s2] =	stream.indirect_vreg.scatter [tilespmem:s15], [sflag:$0x6], $0x80, v4, vm0, $0xb8;
	[tilespmem:$0x18200] =	vst v63  }
0x9f: {  	s11 =	rddreg [dreg:$0x17];
	v3 =	vperm.xlane v3, v2  }
0xa0: {  	[hbm4b:s5+s2] =	stream.indirect_vreg.scatter [tilespmem:s11], [sflag:$0x6], $0x80, v4, vm0, $0xb8;
	[tilespmem:$0x18200] =	vst v63  }
0xa1: {  	s12 =	rddreg [dreg:$0x18];
	v3 =	vadd.s32 v1, v3  }
0xa2: {  	[hbm4b:s6+s2] =	stream.indirect_vreg.scatter [tilespmem:s12], [sflag:$0x6], $0x80, v4, vm0, $0xb8;
	[tilespmem:$0x18200] =	vst v63  }
0xa3: {  	s11 =	rddreg [dreg:$0x19]  }
0xa4: {  	[hbm4b:s7+s2] =	stream.indirect_vreg.scatter [tilespmem:s11], [sflag:$0x6], $0x80, v4, vm0, $0xb8;
	[tilespmem:$0x18200] =	vst v63  }
0xa5: {  	s12 =	rddreg [dreg:$0x1a]  }
0xa6: {  	[hbm4b:s4+s2] =	stream.indirect_vreg.scatter [tilespmem:s12], [sflag:$0x6], $0x80, v3, vm0, $0xb8;
	[tilespmem:$0x18200] =	vst v63  }
0xa7: {  	s11 =	rddreg [dreg:$0x1b]  }
0xa8: {  	[hbm4b:s5+s2] =	stream.indirect_vreg.scatter [tilespmem:s11], [sflag:$0x6], $0x80, v3, vm0, $0xb8;
	[tilespmem:$0x18200] =	vst v63  }
0xa9: {  	s12 =	rddreg [dreg:$0x1c]  }
0xaa: {  	[hbm4b:s6+s2] =	stream.indirect_vreg.scatter [tilespmem:s12], [sflag:$0x6], $0x80, v3, vm0, $0xb8;
	[tilespmem:$0x18200] =	vst v63  }
0xab: {  	s11 =	rddreg [dreg:$0x1d]  }
0xac: {  	[hbm4b:s7+s2] =	stream.indirect_vreg.scatter [tilespmem:s11], [sflag:$0x6], $0x80, v3, vm0, $0xb8;
	[tilespmem:$0x18200] =	vst v63  }
0xad: {  	v3 =	vld [tilespmem:$0x110];
	_ =	sdelay $0x4  }
0xae: {  	v61 =	vshll.u32 v3, $0x3  }
0xaf: {  	v3 =	vand.u32 $0x7, v3;
	v4 =	vand.u32 $0xFFFFFFC0, v61  }
0xb0: {  	v3 =	vor.u32 v3, v4  }
0xb1: {  	v4 =	vperm.xlane v3, v0;
	_ =	sdelay $0x1  }
0xb2: {  	v4 =	vadd.s32 v1, v4;
	_ =	sdelay $0x2  }
0xb3: {  	s12 =	rddreg [dreg:$0x1f]  }
0xb4: {  	s11 =	rddreg [dreg:$0x1e]  }
0xb5: {  	[hbm4b:s4+s2] =	stream.indirect_vreg.scatter [tilespmem:s11], [sflag:$0x6], $0x80, v4, vm0, $0xb8;
	[tilespmem:$0x18200] =	vst v63  }
0xb6: {  	v3 =	vperm.xlane v3, v2;
	s11 =	sld [smem:$0x7F8]  }
0xb7: {  	[hbm4b:s5+s2] =	stream.indirect_vreg.scatter [tilespmem:s12], [sflag:$0x6], $0x80, v4, vm0, $0xb8;
	[tilespmem:$0x18200] =	vst v63  }
0xb8: {  	v3 =	vadd.s32 v1, v3;
	s12 =	sld [smem:$0x7F9]  }
0xb9: {  	[hbm4b:s6+s2] =	stream.indirect_vreg.scatter [tilespmem:s11], [sflag:$0x6], $0x80, v4, vm0, $0xb8;
	[tilespmem:$0x18200] =	vst v63  }
0xba: {  	s11 =	sld [smem:$0x7FA]  }
0xbb: {  	[hbm4b:s7+s2] =	stream.indirect_vreg.scatter [tilespmem:s12], [sflag:$0x6], $0x80, v4, vm0, $0xb8;
	[tilespmem:$0x18200] =	vst v63  }
0xbc: {  	s12 =	sld [smem:$0x7FB]  }
0xbd: {  	[hbm4b:s4+s2] =	stream.indirect_vreg.scatter [tilespmem:s11], [sflag:$0x6], $0x80, v3, vm0, $0xb8;
	[tilespmem:$0x18200] =	vst v63  }
0xbe: {  	s11 =	sld [smem:$0x7FC]  }
0xbf: {  	[hbm4b:s5+s2] =	stream.indirect_vreg.scatter [tilespmem:s12], [sflag:$0x6], $0x80, v3, vm0, $0xb8;
	[tilespmem:$0x18200] =	vst v63  }
0xc0: {  	s12 =	sld [smem:$0x7FD]  }
0xc1: {  	[hbm4b:s6+s2] =	stream.indirect_vreg.scatter [tilespmem:s11], [sflag:$0x6], $0x80, v3, vm0, $0xb8;
	[tilespmem:$0x18200] =	vst v63  }
0xc2: {  	_ = 	snop  }
0xc3: {  	[hbm4b:s7+s2] =	stream.indirect_vreg.scatter [tilespmem:s12], [sflag:$0x6], $0x80, v3, vm0, $0xb8;
	[tilespmem:$0x18200] =	vst v63  }
0xc4: {  	_ =	swait.ge [sflag:s13], $0x8000  }
0xc5: {  	[sflag:s13] =	ssyncset.done $0x0  }
0xc6: {  	[sflag:s13] =	ssyncadd.s32 $0xFFFF8000  }
0xc7: {  	v3 =	vld [tilespmem:$0x180];
	_ =	sdelay $0x4  }
0xc8: {  	v62 =	vshll.u32 v3, $0x3  }
0xc9: {  	v3 =	vand.u32 $0x7, v3;
	v4 =	vand.u32 $0xFFFFFFC0, v62  }
0xca: {  	v3 =	vor.u32 v3, v4  }
0xcb: {  	v4 =	vperm.xlane v3, v0;
	_ =	sdelay $0x1  }
0xcc: {  	v4 =	vadd.s32 v1, v4;
	_ =	sdelay $0x4  }
0xcd: {  	[hbm4b:s4+s2] =	stream.indirect_vreg.scatter [tilespmem:s10], [sflag:$0x4], $0x80, v4, vm0, $0xb8;
	[tilespmem:$0x18200] =	vst v63  }
0xce: {  	v3 =	vperm.xlane v3, v2  }
0xcf: {  	[hbm4b:s5+s2] =	stream.indirect_vreg.scatter [tilespmem:s16], [sflag:$0x4], $0x80, v4, vm0, $0xb8;
	[tilespmem:$0x18200] =	vst v63  }
0xd0: {  	v3 =	vadd.s32 v1, v3  }
0xd1: {  	[hbm4b:s6+s2] =	stream.indirect_vreg.scatter [tilespmem:s17], [sflag:$0x4], $0x80, v4, vm0, $0xb8;
	[tilespmem:$0x18200] =	vst v63  }
0xd2: {  	_ = 	snop  }
0xd3: {  	[hbm4b:s7+s2] =	stream.indirect_vreg.scatter [tilespmem:s18], [sflag:$0x4], $0x80, v4, vm0, $0xb8;
	[tilespmem:$0x18200] =	vst v63  }
0xd4: {  	_ = 	snop  }
0xd5: {  	[hbm4b:s4+s2] =	stream.indirect_vreg.scatter [tilespmem:s19], [sflag:$0x4], $0x80, v3, vm0, $0xb8;
	[tilespmem:$0x18200] =	vst v63  }
0xd6: {  	_ = 	snop  }
0xd7: {  	[hbm4b:s5+s2] =	stream.indirect_vreg.scatter [tilespmem:s20], [sflag:$0x4], $0x80, v3, vm0, $0xb8;
	[tilespmem:$0x18200] =	vst v63  }
0xd8: {  	_ = 	snop  }
0xd9: {  	[hbm4b:s6+s2] =	stream.indirect_vreg.scatter [tilespmem:s21], [sflag:$0x4], $0x80, v3, vm0, $0xb8;
	[tilespmem:$0x18200] =	vst v63  }
0xda: {  	_ = 	snop  }
0xdb: {  	[hbm4b:s7+s2] =	stream.indirect_vreg.scatter [tilespmem:s22], [sflag:$0x4], $0x80, v3, vm0, $0xb8;
	[tilespmem:$0x18200] =	vst v63  }
0xdc: {  	v3 =	vld [tilespmem:$0x190];
	_ =	sdelay $0x4  }
0xdd: {  	v63 =	vshll.u32 v3, $0x3  }
0xde: {  	v3 =	vand.u32 $0x7, v3;
	v4 =	vand.u32 $0xFFFFFFC0, v63  }
0xdf: {  	v3 =	vor.u32 v3, v4  }
0xe0: {  	v4 =	vperm.xlane v3, v0;
	_ =	sdelay $0x1  }
0xe1: {  	v4 =	vadd.s32 v1, v4;
	_ =	sdelay $0x4  }
0xe2: {  	[hbm4b:s4+s2] =	stream.indirect_vreg.scatter [tilespmem:s23], [sflag:$0x4], $0x80, v4, vm0, $0xb8;
	[tilespmem:$0x18200] =	vst v63  }
0xe3: {  	v3 =	vperm.xlane v3, v2  }
0xe4: {  	[hbm4b:s5+s2] =	stream.indirect_vreg.scatter [tilespmem:s24], [sflag:$0x4], $0x80, v4, vm0, $0xb8;
	[tilespmem:$0x18200] =	vst v63  }
0xe5: {  	v3 =	vadd.s32 v1, v3  }
0xe6: {  	[hbm4b:s6+s2] =	stream.indirect_vreg.scatter [tilespmem:s25], [sflag:$0x4], $0x80, v4, vm0, $0xb8;
	[tilespmem:$0x18200] =	vst v63  }
0xe7: {  	_ = 	snop  }
0xe8: {  	[hbm4b:s7+s2] =	stream.indirect_vreg.scatter [tilespmem:s26], [sflag:$0x4], $0x80, v4, vm0, $0xb8;
	[tilespmem:$0x18200] =	vst v63  }
0xe9: {  	_ = 	snop  }
0xea: {  	[hbm4b:s4+s2] =	stream.indirect_vreg.scatter [tilespmem:s28], [sflag:$0x4], $0x80, v3, vm0, $0xb8;
	[tilespmem:$0x18200] =	vst v63  }
0xeb: {  	_ = 	snop  }
0xec: {  	[hbm4b:s5+s2] =	stream.indirect_vreg.scatter [tilespmem:s29], [sflag:$0x4], $0x80, v3, vm0, $0xb8;
	[tilespmem:$0x18200] =	vst v63  }
0xed: {  	_ = 	snop  }
0xee: {  	[hbm4b:s6+s2] =	stream.indirect_vreg.scatter [tilespmem:s9], [sflag:$0x4], $0x80, v3, vm0, $0xb8;
	[tilespmem:$0x18200] =	vst v63  }
0xef: {  	_ = 	snop  }
0xf0: {  	[hbm4b:s7+s2] =	stream.indirect_vreg.scatter [tilespmem:s31], [sflag:$0x4], $0x80, v3, vm0, $0xb8;
	[tilespmem:$0x18200] =	vst v63  }
0xf1: {  	_ =	swait.ge [sflag:s30], $0x8000  }
0xf2: {  	[sflag:s30] =	ssyncset.done $0x0  }
0xf3: {  	[sflag:s30] =	ssyncadd.s32 $0xFFFF8000  }
0xf4: {  	p0 =	sne.s32 s8, $0x1;
	_ =	swait.ge [sflag:s0], $0x8000  }
.Ltmp0:
0xf5: {  	[sflag:s0] =	ssyncset.done $0x0;
	(pc) =	sbr.rel @p0 .LBB2_1-.Ltmp0, $4  }
0xf6: {  	[sflag:s0] =	ssyncadd.s32 $0xFFFF8000  }
0xf7: {  	_ =	swait.ge [sflag:s3], $0x8000  }
0xf8: {  	[sflag:s3] =	ssyncset.done $0x0  }
0xf9: {  	s8 =	sadd.s32 $0xFFFFFFFF, s8;
	[sflag:s3] =	ssyncadd.s32 $0xFFFF8000  }
0xfa: {  	_ =	sfence.sel $0x180000  }
0xfb: {  	[bflag:$0x0] =	sbarrier.arrive $0xFFFF  }
0xfc: {  	_ =	strace $0x90000047  }
0xfd: {  	s0 =	stileid.u32;
	[bflag:$0x2] =	sbarrier.arrive $0xFFFF  }
0xfe: {  	p0 =	sne.s32 s0, $0x0;
	s0 =	rddreg [dreg:$0x3]  }
0xff: {  	s0 =	sadd.s32 @!p0 $0x100000, s0  }
0x100: {  	[sflag:s0] =	ssyncadd.tile.s32 @!p0 $0x1;
	_ =	shalt  }
.Lfunc_end2:
_tile_overlayer_lowered:
.L_overlay_start_2:
0x101: {  	(tag) =	ssettag $0x2  }
0x102: {  	s0 =	rddreg [dreg:$0x0];
	s2 =	stileid.u32  }
0x103: {  	s1 =	rddreg [dreg:$0x1];
	p0 =	sne.s32 s2, $0x0  }
0x104: {  	s3 =	rddreg [dreg:$0x2];
	[bflag:$0x3] =	sbarrier.arrive $0xFFFF;
	s2 =	simm.s32 @!p0 $0x1C07  }
0x105: {  	[timem:s3], [sflag:s2] =	dma.local @!p0 [hbm:s0], s1  }
0x106: {  	s0 =	simm.s32 @!p0 $0x7  }
0x107: {  	_ =	swait.ge @!p0 [sflag:s0], s1  }
0x108: {  	s1 =	ssub.s32 @!p0 $0x0, s1;
	[sflag:s0] =	ssyncset.done @!p0 $0x0  }
0x109: {  	[sflag:s0] =	ssyncadd.s32 @!p0 s1  }
0x10a: {  	[bflag:$0x3] =	sbarrier.arrive $0xFFFF  }
0x10b: {  	_ =	shalt  }

// kernel: kernel.8.cloned.1.call-start
scs
__scs_entry_jumppad:
0x0: {  	(pc) =	sbr.rel $0x88, $3  }
0x1: {  	(tag) =	ssettag $0x0;
	lr =	simm.s32 $0x1  }
0x2: {  	[smem:$0x3F9A] =	sst lr;
	_ =	strace $0xD0000000  }
0x3: {  	_ = 	snop  }
0x4: {  	_ = 	snop  }
0x5: {  	_ = 	snop  }
0x6: {  	_ = 	snop  }
0x7: {  	_ = 	snop  }
__scs_overlays_trampoline_lowered:
0x8: {  	[smem:$0x3FA9] =	sst s0  }
0x9: {  	[smem:$0x3FAA] =	sst s1  }
0xa: {  	[smem:$0x3FAB] =	sst s2  }
0xb: {  	[smem:$0x3FAC] =	sst s3  }
0xc: {  	[smem:$0x3FAD] =	sst s4  }
0xd: {  	[smem:$0x3FAE] =	sst s5  }
0xe: {  	[smem:$0x3FAF] =	sst s6  }
0xf: {  	[smem:$0x3FB0] =	sst s7  }
0x10: {  	[smem:$0x3FB1] =	sst s8  }
0x11: {  	[smem:$0x3FB2] =	sst s9;
	s0 =	simm.s32 @!p0 $0x0  }
0x12: {  	s1 =	sld [smem:$0x3F98];
	s0 =	simm.s32 @p0 $0x1  }
0x13: {  	[smem:$0x3FB3] =	sst s0;
	s0 =	simm.s32 @!p1 $0x0  }
0x14: {  	s2 =	sld [smem:$0x3F97];
	s0 =	simm.s32 @p1 $0x1  }
0x15: {  	[smem:$0x3FB4] =	sst s0;
	s0 =	simm.s32 @!p2 $0x0  }
0x16: {  	s3 =	sld [smem:$0x3FDB];
	s0 =	simm.s32 @p2 $0x1  }
0x17: {  	s4 =	simm.s32 $0x1BF5;
	[smem:$0x3FB6] =	sst s0  }
0x18: {  	s0 =	sld [smem:$0x3F99];
	_ =	swait.ge [sflag:s4], $0x0  }
0x19: {  	s7 =	sld [smem:$0x3F9A]  }
0x1a: {  	s8 =	sadd.s32 $0xFFFFE003, lr  }
0x1b: {  	s9 =	sadd.s32 $0xFFFFFEF7, lr;
	s5 =	simm.s32 $0xFFFFFFFF;
	p2 =	slt.u32 s8, $0xFFFFF086  }
0x1c: {  	p1 =	slt.u32 s9, $0xF7A;
	s5 =	simm.s32 @!p2 $0x0  }
0x1d: {  	s5 =	simm.s32 @p1 $0x1;
	p0 =	seq.s32 s7, s2  }
0x1e: {  	s7 =	smul.u32 @!p0 $0xF7A, s2;
	p2 =	seq.s32 @!p0 s5, $0x0  }
0x1f: {  	s9 =	smul.u32 $0xF7A, s1;
	s8 =	simm.s32 @!p0 $0x1BF5;
	p2 =	por !p2, p0  }
0x20: {  	[sflag:s8] =	ssyncset.s32 @!p0 $0xFFFFF086;
	s6 =	sadd.s32 @!p0 s3, s7;
	s7 =	simm.s32 @!p0 $0x108  }
0x21: {  	s3 =	sadd.s32 s3, s9;
	s6 =	sadd.s32 @!p0 $0x88, s6;
	s7 =	simm.s32 @p2 $0x1082  }
0x22: {  	[simem:s7], [sflag:s8] =	dma.local @!p0 [hbm:s6], $0xF7A  }
0x23: {  	s9 =	sor.u32 $0xD0000000, s2;
	s6 =	simm.s32 $0x108;
	_ =	swait.ge @!p0 [sflag:s8], $0x0  }
0x24: {  	s3 =	sadd.s32 $0x88, s3;
	s6 =	simm.s32 @!p1 $0x1082;
	[sflag:s4] =	ssyncset.s32 $0xFFFFF086  }
0x25: {  	[simem:s6], [sflag:s4] =	dma.local [hbm:s3], $0xF7A  }
0x26: {  	[smem:$0x3F9A] =	sst s1;
	(tag) =	ssettag s2;
	_ =	strace s9  }
0x27: {  	s1 =	sld [smem:$0x3FAA]  }
0x28: {  	s2 =	sld [smem:$0x3FAB]  }
0x29: {  	s4 =	sld [smem:$0x3FAD]  }
0x2a: {  	p0 =	seq.s32 s5, $0x0;
	s5 =	sld [smem:$0x3FAE]  }
0x2b: {  	s6 =	sld [smem:$0x3FAF]  }
0x2c: {  	s7 =	sld [smem:$0x3FB0]  }
0x2d: {  	s3 =	simm.s32 $0x108;
	s8 =	sld [smem:$0x3FB1]  }
0x2e: {  	s3 =	simm.s32 @!p0 $0x1082;
	s9 =	sld [smem:$0x3FB2]  }
0x2f: {  	lr =	sadd.s32 s0, s3;
	s0 =	sld [smem:$0x3FA9]  }
0x30: {  	s3 =	sld [smem:$0x3FAC]  }
0x31: {  	[smem:$0x3FB5] =	sst s10  }
0x32: {  	s10 =	sld [smem:$0x3FB3];
	_ =	sdelay $0x3  }
0x33: {  	p0 =	seq.s32 s10, $0x1;
	s10 =	sld [smem:$0x3FB5];
	_ =	sdelay $0x3  }
0x34: {  	[smem:$0x3FB5] =	sst s10  }
0x35: {  	s10 =	sld [smem:$0x3FB4];
	_ =	sdelay $0x3  }
0x36: {  	p1 =	seq.s32 s10, $0x1;
	s10 =	sld [smem:$0x3FB5];
	_ =	sdelay $0x3  }
0x37: {  	[smem:$0x3FB5] =	sst s10  }
0x38: {  	s10 =	sld [smem:$0x3FB6]  }
0x39: {  	_ = 	snop;
	(pc) =	sbr.ind lr, $3  }
0x3a: {  	_ = 	snop  }
0x3b: {  	_ = 	snop  }
0x3c: {  	p2 =	seq.s32 s10, $0x1;
	s10 =	sld [smem:$0x3FB5]  }
0x3d: {  	_ =	shalt  }
0x3e: {  	_ =	shalt  }
0x3f: {  	_ =	shalt  }
0x40: {  	_ =	shalt  }
0x41: {  	_ =	shalt  }
0x42: {  	_ =	shalt  }
0x43: {  	_ =	shalt  }
0x44: {  	_ =	shalt  }
0x45: {  	_ =	shalt  }
0x46: {  	_ =	shalt  }
0x47: {  	_ =	shalt  }
0x48: {  	_ =	shalt  }
0x49: {  	_ =	shalt  }
0x4a: {  	_ =	shalt  }
0x4b: {  	_ =	shalt  }
0x4c: {  	_ =	shalt  }
0x4d: {  	_ =	shalt  }
0x4e: {  	_ =	shalt  }
0x4f: {  	_ =	shalt  }
0x50: {  	_ =	shalt  }
0x51: {  	_ =	shalt  }
0x52: {  	_ =	shalt  }
0x53: {  	_ =	shalt  }
0x54: {  	_ =	shalt  }
0x55: {  	_ =	shalt  }
0x56: {  	_ =	shalt  }
0x57: {  	_ =	shalt  }
0x58: {  	_ =	shalt  }
0x59: {  	_ =	shalt  }
0x5a: {  	_ =	shalt  }
0x5b: {  	_ =	shalt  }
0x5c: {  	_ =	shalt  }
0x5d: {  	_ =	shalt  }
0x5e: {  	_ =	shalt  }
0x5f: {  	_ =	shalt  }
0x60: {  	_ =	shalt  }
0x61: {  	_ =	shalt  }
0x62: {  	_ =	shalt  }
0x63: {  	_ =	shalt  }
0x64: {  	_ =	shalt  }
0x65: {  	_ =	shalt  }
0x66: {  	_ =	shalt  }
0x67: {  	_ =	shalt  }
0x68: {  	_ =	shalt  }
0x69: {  	_ =	shalt  }
0x6a: {  	_ =	shalt  }
0x6b: {  	_ =	shalt  }
0x6c: {  	_ =	shalt  }
0x6d: {  	_ =	shalt  }
0x6e: {  	_ =	shalt  }
0x6f: {  	_ =	shalt  }
0x70: {  	_ =	shalt  }
0x71: {  	_ =	shalt  }
0x72: {  	_ =	shalt  }
0x73: {  	_ =	shalt  }
0x74: {  	_ =	shalt  }
0x75: {  	_ =	shalt  }
0x76: {  	_ =	shalt  }
0x77: {  	_ =	shalt  }
0x78: {  	_ =	shalt  }
0x79: {  	_ =	shalt  }
0x7a: {  	_ =	shalt  }
0x7b: {  	_ =	shalt  }
0x7c: {  	_ =	shalt  }
0x7d: {  	_ =	shalt  }
0x7e: {  	_ =	shalt  }
0x7f: {  	_ =	shalt  }
0x80: {  	_ =	shalt  }
0x81: {  	_ =	shalt  }
0x82: {  	_ =	shalt  }
0x83: {  	_ =	shalt  }
0x84: {  	_ =	shalt  }
0x85: {  	_ =	shalt  }
0x86: {  	_ =	shalt  }
0x87: {  	_ =	shalt  }
.Lfunc_end0:
.L_simem_size_0:
called_computation.1_lowered:
.L_overlay_start_0:
0x88: {  	s2 =	sld [smem:$0x3FD9]  }
0x89: {  	s3 =	sld [smem:$0x3FFE];
	_ =	sdelay $0x1  }
0x8a: {  	s1 =	srdreg.scid  }
0x8b: {  	s0 =	sand.u32 $0x1, s1  }
0x8c: {  	s14 =	sshll.u32 s0, $0xA;
	s2 =	sadd.s32 s3, s2  }
0x8d: {  	s2 =	sadd.s32 s2, s14  }
0x8e: {  	[smem:$0x3FC1] =	sst s2  }
0x8f: {  	_ = 	snop  }
0x90: {  	s2 =	sld [smem:$0x3FD0];
	_ =	sdelay $0x2  }
0x91: {  	s15 =	simm.s32 $0xA;
	s4 =	simm.s32 $0x10  }
0x92: {  	[smem:s4], [sflag:s15] =	dma.local [hbm:s2], $0x1  }
0x93: {  	_ =	swait.eq [sflag:s15], $0x1  }
0x94: {  	[sflag:s15] =	ssyncset.done $0x0  }
0x95: {  	[sflag:s15] =	ssyncadd.s32 $0xFFFFFFFF  }
0x96: {  	s16 =	sld [smem:$0x10];
	(tm) =	ssettm $0x1  }
0x97: {  	s17 =	sld [smem:$0x3FFB];
	_ =	sdelay $0x3  }
0x98: {  	_ =	strace s17  }
0x99: {  	s3 =	sld [smem:$0x3FFC];
	_ =	sdelay $0x3  }
0x9a: {  	_ =	strace s3  }
0x9b: {  	s3 =	sld [smem:$0x3FFD];
	_ =	sdelay $0x3  }
0x9c: {  	_ =	strace s3  }
0x9d: {  	_ =	strace $0x8FFFFFFF  }
0x9e: {  	s18 =	sld [smem:$0x3FDB];
	_ =	sdelay $0x1  }
0x9f: {  	s19 =	simm.s32 $_scs_section_size  }
0xa0: {  	s5 =	simm.s32 $_size__tile_overlayer_lowered;
	s6 =	simm.s32 $_tile_overlayer_lowered  }
0xa1: {  	s22 =	simm.s32 $0x1BFF;
	s21 =	sshll.u32 s6, $0x1;
	s3 =	sadd.s32 s19, s18  }
0xa2: {  	s7 =	simm.s32 $0x0;
	s20 =	sshll.u32 s5, $0x1;
	s5 =	sadd.s32 s21, s3  }
0xa3: {  	[timem:s7], [sflag:s22] =	dma.local [hbm:s5], s20  }
0xa4: {  	_ =	swait.ge [sflag:s22], s20  }
0xa5: {  	s4 =	ssub.s32 $0x0, s20;
	[sflag:s22] =	ssyncset.done $0x0  }
0xa6: {  	[sflag:s22] =	ssyncadd.s32 s4;
	_ =	sdelay $0x1  }
0xa7: {  	s23 =	simm.s32 $0x1B8B  }
0xa8: {  	_ =	swait.ge [sflag:s23], $0x1  }
0xa9: {  	[sflag:s23] =	ssyncset.done $0x0  }
0xaa: {  	s25 =	simm.s32 $0x1B8E;
	s24 =	sld [smem:$0x3FFE];
	[sflag:s23] =	ssyncadd.s32 $0xFFFFFFFF  }
0xab: {  	s26 =	simm.s32 $execute0_lowered;
	[smem:$0x3FD2] =	sst s25  }
0xac: {  	s5 =	sshll.u32 s26, $0x1;
	_ =	strace $0x80000049;
	[dreg:$0x1] =	wrdreg $0xFFFFFFFF  }
0xad: {  	s28 =	simm.s32 $_size_execute0_lowered;
	s3 =	sadd.s32 s3, s5;
	[dreg:$0x0] =	wrdreg $0x0  }
0xae: {  	s5 =	sshll.u32 s28, $0x1;
	[dreg:$0x2] =	wrdreg s3  }
0xaf: {  	[dreg:$0x3] =	wrdreg s5  }
0xb0: {  	[dreg:$0x4] =	wrdreg $0xC0  }
0xb1: {  	_ =	task [dreg:s7], $0x5FFFF  }
0xb2: {  	[dreg:$0x1] =	wrdreg $0xFFFFFFFF  }
0xb3: {  	[dreg:$0x0] =	wrdreg $0x60  }
0xb4: {  	[dreg:$0x2] =	wrdreg s24  }
0xb5: {  	[dreg:$0x3] =	wrdreg s16  }
0xb6: {  	[dreg:$0x4] =	wrdreg $0x9  }
0xb7: {  	_ =	task.clear_ibuf [dreg:s7], $0x5FFFF;
	_ =	strace $0x90000049  }
0xb8: {  	s29 =	simm.s32 $0x9;
	_ =	strace $0x8000004B  }
0xb9: {  	_ =	swait.ge [sflag:s29], $0x1  }
0xba: {  	[sflag:s29] =	ssyncadd.s32 $0xFFFFFFFF  }
0xbb: {  	_ =	strace $0x9000004B  }
0xbc: {  	_ =	sfence  }
0xbd: {  	s30 =	sld [smem:$0x0];
	_ =	sdelay $0x2  }
0xbe: {  	s31 =	sshll.u32 s1, $0xD;
	s1 =	sshrl.u32 s1, $0x2  }
0xbf: {  	s3 =	sand.u32 $0x4000, s31;
	s1 =	sadd.s32 s1, s30  }
0xc0: {  	s0 =	sor.u32 s3, s0;
	s1 =	sshll.u32 s1, $0x11  }
0xc1: {  	s0 =	sor.u32 s1, s0  }
0xc2: {  	s0 =	sadd.s32 $0x8F2B, s0  }
0xc3: {  	[sflag:s0] =	ssyncadd.remote.s32 $0x1  }
0xc4: {  	_ =	sfence.sel $0xFFFF  }
0xc5: {  	[dreg:$0x0] =	wrdreg $0xFFFFFFFF;
	(pc) =	sbr.abs _section_cstart, $3  }
0xc6: {  	[dreg:$0x1] =	wrdreg $0xFFFFFFFF  }
0xc7: {  	_ =	task.clear_ibuf [dreg:s7], $0x2FFFF;
	_ =	strace $0x9FFFFFFF  }
0xc8: {  	(tm) =	ssettm $0x7FFFFFFF  }
0xc9: {  	_ =	shalt  }
tec
execute0_lowered:
.L_overlay_start_1:
0x0: {  	(tag) =	ssettag $0x1  }
0x1: {  	s1 =	rddreg [dreg:$0x0];
	s2 =	stileid.u32  }
0x2: {  	s3 =	rddreg [dreg:$0x1];
	s4 =	sshll.u32 s2, $0x8;
	s2 =	simm.s32 $0x0  }
0x3: {  	s18 =	simm.s32 $0x8880;
	[smem:$0x7FF] =	sst s2  }
0x4: {  	s19 =	simm.s32 $0x9080;
	_ =	strace $0x8000004A;
	[dreg:$0x7] =	wrdreg s18  }
0x5: {  	s20 =	simm.s32 $0x9880;
	[dreg:$0x8] =	wrdreg s19  }
0x6: {  	s21 =	simm.s32 $0xA080;
	[dreg:$0x9] =	wrdreg s20  }
0x7: {  	s22 =	simm.s32 $0xA880;
	[dreg:$0xa] =	wrdreg s21  }
0x8: {  	s23 =	simm.s32 $0xB080;
	[dreg:$0xb] =	wrdreg s22  }
0x9: {  	s24 =	simm.s32 $0xB880;
	[dreg:$0xc] =	wrdreg s23  }
0xa: {  	s25 =	simm.s32 $0xC080;
	[dreg:$0xd] =	wrdreg s24  }
0xb: {  	s26 =	simm.s32 $0xC880;
	[dreg:$0xe] =	wrdreg s25  }
0xc: {  	s7 =	simm.s32 $0xD880;
	[dreg:$0xf] =	wrdreg s26  }
0xd: {  	s0 =	srdreg.scid;
	s8 =	simm.s32 $0xE080;
	[dreg:$0x11] =	wrdreg s7  }
0xe: {  	s9 =	simm.s32 $0xE880;
	s10 =	simm.s32 $0xF080;
	[dreg:$0x12] =	wrdreg s8  }
0xf: {  	s11 =	simm.s32 $0xF880;
	s12 =	simm.s32 $0x10880;
	[dreg:$0x13] =	wrdreg s9  }
0x10: {  	s13 =	simm.s32 $0x11080;
	s14 =	simm.s32 $0x11880;
	[dreg:$0x14] =	wrdreg s10  }
0x11: {  	s15 =	simm.s32 $0x12080;
	s29 =	simm.s32 $0x1;
	[dreg:$0x15] =	wrdreg s11  }
0x12: {  	s30 =	simm.s32 $0x4;
	s28 =	simm.s32 $0x7880;
	[dreg:$0x16] =	wrdreg s12  }
0x13: {  	s31 =	simm.s32 $0x10080;
	s0 =	sand.u32 $0x1, s0;
	[dreg:$0x17] =	wrdreg s13  }
0x14: {  	s5 =	sshll.u32 s0, $0x7;
	s0 =	ssub.s32 $0x2, s0;
	[dreg:$0x18] =	wrdreg s14  }
0x15: {  	s4 =	sor.u32 s5, s4;
	[dreg:$0x19] =	wrdreg s15;
	s18 =	simm.s32 $0x13880  }
0x16: {  	s6 =	sshrl.u32 s0, $0x1;
	s19 =	simm.s32 $0x14080;
	[dreg:$0x1c] =	wrdreg s18  }
0x17: {  	s7 =	sadd.s32 $0x100500, s1;
	s20 =	simm.s32 $0x14880;
	[dreg:$0x1d] =	wrdreg s19  }
0x18: {  	s10 =	simm.s32 $0x80;
	s21 =	simm.s32 $0x15080;
	[dreg:$0x1e] =	wrdreg s20  }
0x19: {  	s22 =	simm.s32 $0x15880;
	s23 =	simm.s32 $0x16080;
	[dreg:$0x1f] =	wrdreg s21  }
0x1a: {  	s24 =	simm.s32 $0x16880;
	s25 =	simm.s32 $0x17080;
	[smem:$0x7F9] =	sst s22  }
0x1b: {  	s26 =	simm.s32 $0x17880;
	s13 =	simm.s32 $0x880;
	[smem:$0x7FA] =	sst s23  }
0x1c: {  	s14 =	simm.s32 $0x1080;
	s15 =	simm.s32 $0x1880;
	[smem:$0x7FB] =	sst s24  }
0x1d: {  	s5 =	sshrl.u32 s4, $0x3;
	s4 =	sshll.u32 s4, $0x7;
	[smem:$0x7FC] =	sst s25  }
0x1e: {  	s0 =	ssub.s32 s0, s6;
	s6 =	sadd.s32 $0x100400, s1;
	[smem:$0x7FD] =	sst s26  }
0x1f: {  	s18 =	simm.s32 $0x3080;
	s19 =	simm.s32 $0x3880;
	s20 =	simm.s32 $0x4080  }
0x20: {  	s21 =	simm.s32 $0x4880;
	s22 =	simm.s32 $0x5080;
	s5 =	sadd.s32 s1, s5  }
0x21: {  	s23 =	simm.s32 $0x5880;
	s4 =	sadd.s32 s3, s4;
	[dreg:$0x3] =	wrdreg s5  }
0x22: {  	s24 =	simm.s32 $0x6080;
	s3 =	sadd.s32 $0x1000, s4;
	[smem:$0x7F8] =	sst s4  }
0x23: {  	s25 =	simm.s32 $0x6880;
	s16 =	sadd.s32 $0x2000, s4;
	[dreg:$0x4] =	wrdreg s3  }
0x24: {  	s26 =	simm.s32 $0x7080;
	s17 =	sadd.s32 $0x3000, s4;
	[dreg:$0x5] =	wrdreg s16  }
0x25: {  	s8 =	smax.u32 s0, $0x1;
	s5 =	simm.s32 $0xD080;
	[dreg:$0x6] =	wrdreg s17  }
0x26: {  	s0 =	simm.s32 $0x5;
	s4 =	sadd.s32 $0x100200, s1;
	[dreg:$0x10] =	wrdreg s5  }
0x27: {  	v2 =	vlaneseq.u32;
	s5 =	sadd.s32 $0x100300, s1;
	s16 =	simm.s32 $0x12880;
	s17 =	simm.s32 $0x13080  }
0x28: {  	vm0 =	vmmov $0xffff;
	v1 =	vshrl.u32 v2, $0x3;
	s1 =	simm.s32 $0x3;
	s3 =	simm.s32 $0x6;
	[dreg:$0x1a] =	wrdreg s16  }
0x29: {  	v0 =	vand.u32 $0x7, v2;
	v2 =	vor.u32 $0x8, v2;
	v1 =	vmul.u32 $0x8, v1;
	[dreg:$0x1b] =	wrdreg s17;
	s16 =	simm.s32 $0x2080;
	s17 =	simm.s32 $0x2880  }
.LBB2_1:
0x2a: {  	s11 =	rddreg [dreg:$0x3];
	s9 =	simm.s32 $0x7  }
0x2b: {  	[tilespmem:s2], [sflag:$0x7] =	stream.linear.gather [hbm4b:s11+s2], $0x80, $0x38;
	[tilespmem:$0x18080] =	vst v63  }
0x2c: {  	_ =	swait.ge [sflag:s9], $0x80  }
0x2d: {  	[sflag:s9] =	ssyncset.done $0x0  }
0x2e: {  	[sflag:s9] =	ssyncadd.s32 $0xFFFFFF80  }
0x2f: {  	v3 =	vld [tilespmem:$0x0];
	_ =	sdelay $0x4  }
0x30: {  	v4 =	vshll.u32 v3, $0x3  }
0x31: {  	v3 =	vand.u32 $0x7, v3;
	v4 =	vand.u32 $0xFFFFFFC0, v4  }
0x32: {  	v3 =	vor.u32 v3, v4  }
0x33: {  	v4 =	vperm.xlane v3, v0;
	_ =	sdelay $0x1  }
0x34: {  	v4 =	vadd.s32 v1, v4;
	_ =	sdelay $0x4  }
0x35: {  	[tilespmem:s10], [sflag:$0x1] =	stream.indirect_vreg.gather [hbm4b:s4+s2], $0x80, v4, vm0, $0xb8;
	[tilespmem:$0x18080] =	vst v63  }
0x36: {  	v3 =	vperm.xlane v3, v2  }
0x37: {  	[tilespmem:s13], [sflag:$0x1] =	stream.indirect_vreg.gather [hbm4b:s5+s2], $0x80, v4, vm0, $0xb8;
	[tilespmem:$0x18080] =	vst v63  }
0x38: {  	v3 =	vadd.s32 v1, v3  }
0x39: {  	[tilespmem:s14], [sflag:$0x1] =	stream.indirect_vreg.gather [hbm4b:s6+s2], $0x80, v4, vm0, $0xb8;
	[tilespmem:$0x18080] =	vst v63  }
0x3a: {  	_ = 	snop  }
0x3b: {  	[tilespmem:s15], [sflag:$0x1] =	stream.indirect_vreg.gather [hbm4b:s7+s2], $0x80, v4, vm0, $0xb8;
	[tilespmem:$0x18080] =	vst v63  }
0x3c: {  	_ = 	snop  }
0x3d: {  	[tilespmem:s16], [sflag:$0x1] =	stream.indirect_vreg.gather [hbm4b:s4+s2], $0x80, v3, vm0, $0xb8;
	[tilespmem:$0x18080] =	vst v63  }
0x3e: {  	_ = 	snop  }
0x3f: {  	[tilespmem:s17], [sflag:$0x1] =	stream.indirect_vreg.gather [hbm4b:s5+s2], $0x80, v3, vm0, $0xb8;
	[tilespmem:$0x18080] =	vst v63  }
0x40: {  	_ = 	snop  }
0x41: {  	[tilespmem:s18], [sflag:$0x1] =	stream.indirect_vreg.gather [hbm4b:s6+s2], $0x80, v3, vm0, $0xb8;
	[tilespmem:$0x18080] =	vst v63  }
0x42: {  	_ = 	snop  }
0x43: {  	[tilespmem:s19], [sflag:$0x1] =	stream.indirect_vreg.gather [hbm4b:s7+s2], $0x80, v3, vm0, $0xb8;
	[tilespmem:$0x18080] =	vst v63  }
0x44: {  	v3 =	vld [tilespmem:$0x10];
	_ =	sdelay $0x4  }
0x45: {  	v57 =	vshll.u32 v3, $0x3  }
0x46: {  	v3 =	vand.u32 $0x7, v3;
	v4 =	vand.u32 $0xFFFFFFC0, v57  }
0x47: {  	v3 =	vor.u32 v3, v4  }
0x48: {  	v4 =	vperm.xlane v3, v0;
	_ =	sdelay $0x1  }
0x49: {  	v4 =	vadd.s32 v1, v4;
	_ =	sdelay $0x4  }
0x4a: {  	[tilespmem:s20], [sflag:$0x1] =	stream.indirect_vreg.gather [hbm4b:s4+s2], $0x80, v4, vm0, $0xb8;
	[tilespmem:$0x18080] =	vst v63  }
0x4b: {  	v3 =	vperm.xlane v3, v2  }
0x4c: {  	[tilespmem:s21], [sflag:$0x1] =	stream.indirect_vreg.gather [hbm4b:s5+s2], $0x80, v4, vm0, $0xb8;
	[tilespmem:$0x18080] =	vst v63  }
0x4d: {  	v3 =	vadd.s32 v1, v3  }
0x4e: {  	[tilespmem:s22], [sflag:$0x1] =	stream.indirect_vreg.gather [hbm4b:s6+s2], $0x80, v4, vm0, $0xb8;
	[tilespmem:$0x18080] =	vst v63  }
0x4f: {  	_ = 	snop  }
0x50: {  	[tilespmem:s23], [sflag:$0x1] =	stream.indirect_vreg.gather [hbm4b:s7+s2], $0x80, v4, vm0, $0xb8;
	[tilespmem:$0x18080] =	vst v63  }
0x51: {  	_ = 	snop  }
0x52: {  	[tilespmem:s24], [sflag:$0x1] =	stream.indirect_vreg.gather [hbm4b:s4+s2], $0x80, v3, vm0, $0xb8;
	[tilespmem:$0x18080] =	vst v63  }
0x53: {  	_ = 	snop  }
0x54: {  	[tilespmem:s25], [sflag:$0x1] =	stream.indirect_vreg.gather [hbm4b:s5+s2], $0x80, v3, vm0, $0xb8;
	[tilespmem:$0x18080] =	vst v63  }
0x55: {  	_ = 	snop  }
0x56: {  	[tilespmem:s26], [sflag:$0x1] =	stream.indirect_vreg.gather [hbm4b:s6+s2], $0x80, v3, vm0, $0xb8;
	[tilespmem:$0x18080] =	vst v63  }
0x57: {  	_ = 	snop  }
0x58: {  	[tilespmem:s28], [sflag:$0x1] =	stream.indirect_vreg.gather [hbm4b:s7+s2], $0x80, v3, vm0, $0xb8;
	[tilespmem:$0x18080] =	vst v63  }
0x59: {  	v3 =	vld [tilespmem:$0x20];
	_ =	sdelay $0x4  }
0x5a: {  	v58 =	vshll.u32 v3, $0x3  }
0x5b: {  	v3 =	vand.u32 $0x7, v3;
	v4 =	vand.u32 $0xFFFFFFC0, v58  }
0x5c: {  	v3 =	vor.u32 v3, v4  }
0x5d: {  	v4 =	vperm.xlane v3, v0;
	_ =	sdelay $0x1  }
0x5e: {  	v4 =	vadd.s32 v1, v4;
	_ =	sdelay $0x3  }
0x5f: {  	s9 =	simm.s32 $0x8080  }
0x60: {  	[tilespmem:s9], [sflag:$0x2] =	stream.indirect_vreg.gather [hbm4b:s4+s2], $0x80, v4, vm0, $0xb8;
	[tilespmem:$0x18080] =	vst v63  }
0x61: {  	s11 =	rddreg [dreg:$0x7];
	v3 =	vperm.xlane v3, v2  }
0x62: {  	[tilespmem:s11], [sflag:$0x2] =	stream.indirect_vreg.gather [hbm4b:s5+s2], $0x80, v4, vm0, $0xb8;
	[tilespmem:$0x18080] =	vst v63  }
0x63: {  	s12 =	rddreg [dreg:$0x8];
	v3 =	vadd.s32 v1, v3  }
0x64: {  	[tilespmem:s12], [sflag:$0x2] =	stream.indirect_vreg.gather [hbm4b:s6+s2], $0x80, v4, vm0, $0xb8;
	[tilespmem:$0x18080] =	vst v63  }
0x65: {  	s11 =	rddreg [dreg:$0x9]  }
0x66: {  	[tilespmem:s11], [sflag:$0x2] =	stream.indirect_vreg.gather [hbm4b:s7+s2], $0x80, v4, vm0, $0xb8;
	[tilespmem:$0x18080] =	vst v63  }
0x67: {  	s12 =	rddreg [dreg:$0xa]  }
0x68: {  	[tilespmem:s12], [sflag:$0x2] =	stream.indirect_vreg.gather [hbm4b:s4+s2], $0x80, v3, vm0, $0xb8;
	[tilespmem:$0x18080] =	vst v63  }
0x69: {  	s11 =	rddreg [dreg:$0xb]  }
0x6a: {  	[tilespmem:s11], [sflag:$0x2] =	stream.indirect_vreg.gather [hbm4b:s5+s2], $0x80, v3, vm0, $0xb8;
	[tilespmem:$0x18080] =	vst v63  }
0x6b: {  	s12 =	rddreg [dreg:$0xc]  }
0x6c: {  	[tilespmem:s12], [sflag:$0x2] =	stream.indirect_vreg.gather [hbm4b:s6+s2], $0x80, v3, vm0, $0xb8;
	[tilespmem:$0x18080] =	vst v63  }
0x6d: {  	s11 =	rddreg [dreg:$0xd]  }
0x6e: {  	[tilespmem:s11], [sflag:$0x2] =	stream.indirect_vreg.gather [hbm4b:s7+s2], $0x80, v3, vm0, $0xb8;
	[tilespmem:$0x18080] =	vst v63  }
0x6f: {  	v3 =	vld [tilespmem:$0x30];
	_ =	sdelay $0x4  }
0x70: {  	v59 =	vshll.u32 v3, $0x3  }
0x71: {  	v3 =	vand.u32 $0x7, v3;
	v4 =	vand.u32 $0xFFFFFFC0, v59  }
0x72: {  	v3 =	vor.u32 v3, v4  }
0x73: {  	v4 =	vperm.xlane v3, v0;
	_ =	sdelay $0x1  }
0x74: {  	v4 =	vadd.s32 v1, v4;
	_ =	sdelay $0x3  }
0x75: {  	s11 =	rddreg [dreg:$0xe]  }
0x76: {  	[tilespmem:s11], [sflag:$0x2] =	stream.indirect_vreg.gather [hbm4b:s4+s2], $0x80, v4, vm0, $0xb8;
	[tilespmem:$0x18080] =	vst v63  }
0x77: {  	s12 =	rddreg [dreg:$0xf];
	v3 =	vperm.xlane v3, v2  }
0x78: {  	[tilespmem:s12], [sflag:$0x2] =	stream.indirect_vreg.gather [hbm4b:s5+s2], $0x80, v4, vm0, $0xb8;
	[tilespmem:$0x18080] =	vst v63  }
0x79: {  	v3 =	vadd.s32 v1, v3;
	s11 =	rddreg [dreg:$0x10]  }
0x7a: {  	[tilespmem:s11], [sflag:$0x2] =	stream.indirect_vreg.gather [hbm4b:s6+s2], $0x80, v4, vm0, $0xb8;
	[tilespmem:$0x18080] =	vst v63  }
0x7b: {  	s12 =	rddreg [dreg:$0x11]  }
0x7c: {  	[tilespmem:s12], [sflag:$0x2] =	stream.indirect_vreg.gather [hbm4b:s7+s2], $0x80, v4, vm0, $0xb8;
	[tilespmem:$0x18080] =	vst v63  }
0x7d: {  	s11 =	rddreg [dreg:$0x12]  }
0x7e: {  	[tilespmem:s11], [sflag:$0x2] =	stream.indirect_vreg.gather [hbm4b:s4+s2], $0x80, v3, vm0, $0xb8;
	[tilespmem:$0x18080] =	vst v63  }
0x7f: {  	s12 =	rddreg [dreg:$0x13]  }
0x80: {  	[tilespmem:s12], [sflag:$0x2] =	stream.indirect_vreg.gather [hbm4b:s5+s2], $0x80, v3, vm0, $0xb8;
	[tilespmem:$0x18080] =	vst v63  }
0x81: {  	s11 =	rddreg [dreg:$0x14]  }
0x82: {  	[tilespmem:s11], [sflag:$0x2] =	stream.indirect_vreg.gather [hbm4b:s6+s2], $0x80, v3, vm0, $0xb8;
	[tilespmem:$0x18080] =	vst v63  }
0x83: {  	s12 =	rddreg [dreg:$0x15]  }
0x84: {  	[tilespmem:s12], [sflag:$0x2] =	stream.indirect_vreg.gather [hbm4b:s7+s2], $0x80, v3, vm0, $0xb8;
	[tilespmem:$0x18080] =	vst v63  }
0x85: {  	v3 =	vld [tilespmem:$0x40];
	_ =	sdelay $0x4  }
0x86: {  	v60 =	vshll.u32 v3, $0x3  }
0x87: {  	v3 =	vand.u32 $0x7, v3;
	v4 =	vand.u32 $0xFFFFFFC0, v60  }
0x88: {  	v3 =	vor.u32 v3, v4  }
0x89: {  	v4 =	vperm.xlane v3, v0;
	_ =	sdelay $0x1  }
0x8a: {  	v4 =	vadd.s32 v1, v4;
	_ =	sdelay $0x4  }
0x8b: {  	[tilespmem:s31], [sflag:$0x3] =	stream.indirect_vreg.gather [hbm4b:s4+s2], $0x80, v4, vm0, $0xb8;
	[tilespmem:$0x18080] =	vst v63  }
0x8c: {  	s11 =	rddreg [dreg:$0x16];
	v3 =	vperm.xlane v3, v2  }
0x8d: {  	[tilespmem:s11], [sflag:$0x3] =	stream.indirect_vreg.gather [hbm4b:s5+s2], $0x80, v4, vm0, $0xb8;
	[tilespmem:$0x18080] =	vst v63  }
0x8e: {  	s12 =	rddreg [dreg:$0x17];
	v3 =	vadd.s32 v1, v3  }
0x8f: {  	[tilespmem:s12], [sflag:$0x3] =	stream.indirect_vreg.gather [hbm4b:s6+s2], $0x80, v4, vm0, $0xb8;
	[tilespmem:$0x18080] =	vst v63  }
0x90: {  	s11 =	rddreg [dreg:$0x18]  }
0x91: {  	[tilespmem:s11], [sflag:$0x3] =	stream.indirect_vreg.gather [hbm4b:s7+s2], $0x80, v4, vm0, $0xb8;
	[tilespmem:$0x18080] =	vst v63  }
0x92: {  	s12 =	rddreg [dreg:$0x19]  }
0x93: {  	[tilespmem:s12], [sflag:$0x3] =	stream.indirect_vreg.gather [hbm4b:s4+s2], $0x80, v3, vm0, $0xb8;
	[tilespmem:$0x18080] =	vst v63  }
0x94: {  	s11 =	rddreg [dreg:$0x1a]  }
0x95: {  	[tilespmem:s11], [sflag:$0x3] =	stream.indirect_vreg.gather [hbm4b:s5+s2], $0x80, v3, vm0, $0xb8;
	[tilespmem:$0x18080] =	vst v63  }
0x96: {  	s12 =	rddreg [dreg:$0x1b]  }
0x97: {  	[tilespmem:s12], [sflag:$0x3] =	stream.indirect_vreg.gather [hbm4b:s6+s2], $0x80, v3, vm0, $0xb8;
	[tilespmem:$0x18080] =	vst v63  }
0x98: {  	s11 =	rddreg [dreg:$0x1c]  }
0x99: {  	[tilespmem:s11], [sflag:$0x3] =	stream.indirect_vreg.gather [hbm4b:s7+s2], $0x80, v3, vm0, $0xb8;
	[tilespmem:$0x18080] =	vst v63  }
0x9a: {  	v3 =	vld [tilespmem:$0x50];
	_ =	sdelay $0x4  }
0x9b: {  	v61 =	vshll.u32 v3, $0x3  }
0x9c: {  	v3 =	vand.u32 $0x7, v3;
	v4 =	vand.u32 $0xFFFFFFC0, v61  }
0x9d: {  	v3 =	vor.u32 v3, v4  }
0x9e: {  	v4 =	vperm.xlane v3, v0;
	_ =	sdelay $0x1  }
0x9f: {  	v4 =	vadd.s32 v1, v4;
	_ =	sdelay $0x2  }
0xa0: {  	s12 =	rddreg [dreg:$0x1e]  }
0xa1: {  	s11 =	rddreg [dreg:$0x1d]  }
0xa2: {  	[tilespmem:s11], [sflag:$0x3] =	stream.indirect_vreg.gather [hbm4b:s4+s2], $0x80, v4, vm0, $0xb8;
	[tilespmem:$0x18080] =	vst v63  }
0xa3: {  	v3 =	vperm.xlane v3, v2;
	s11 =	rddreg [dreg:$0x1f]  }
0xa4: {  	[tilespmem:s12], [sflag:$0x3] =	stream.indirect_vreg.gather [hbm4b:s5+s2], $0x80, v4, vm0, $0xb8;
	[tilespmem:$0x18080] =	vst v63  }
0xa5: {  	v3 =	vadd.s32 v1, v3;
	s12 =	sld [smem:$0x7F9]  }
0xa6: {  	[tilespmem:s11], [sflag:$0x3] =	stream.indirect_vreg.gather [hbm4b:s6+s2], $0x80, v4, vm0, $0xb8;
	[tilespmem:$0x18080] =	vst v63  }
0xa7: {  	s11 =	sld [smem:$0x7FA]  }
0xa8: {  	[tilespmem:s12], [sflag:$0x3] =	stream.indirect_vreg.gather [hbm4b:s7+s2], $0x80, v4, vm0, $0xb8;
	[tilespmem:$0x18080] =	vst v63  }
0xa9: {  	s12 =	sld [smem:$0x7FB]  }
0xaa: {  	[tilespmem:s11], [sflag:$0x3] =	stream.indirect_vreg.gather [hbm4b:s4+s2], $0x80, v3, vm0, $0xb8;
	[tilespmem:$0x18080] =	vst v63  }
0xab: {  	s11 =	sld [smem:$0x7FC]  }
0xac: {  	[tilespmem:s12], [sflag:$0x3] =	stream.indirect_vreg.gather [hbm4b:s5+s2], $0x80, v3, vm0, $0xb8;
	[tilespmem:$0x18080] =	vst v63  }
0xad: {  	s12 =	sld [smem:$0x7FD]  }
0xae: {  	[tilespmem:s11], [sflag:$0x3] =	stream.indirect_vreg.gather [hbm4b:s6+s2], $0x80, v3, vm0, $0xb8;
	[tilespmem:$0x18080] =	vst v63  }
0xaf: {  	_ = 	snop  }
0xb0: {  	[tilespmem:s12], [sflag:$0x3] =	stream.indirect_vreg.gather [hbm4b:s7+s2], $0x80, v3, vm0, $0xb8;
	[tilespmem:$0x18080] =	vst v63  }
0xb1: {  	_ =	swait.ge [sflag:s29], $0x8000  }
0xb2: {  	s12 =	sld [smem:$0x7F8]  }
0xb3: {  	[sflag:s29] =	ssyncset.done $0x0  }
0xb4: {  	[sflag:s29] =	ssyncadd.s32 $0xFFFF8000  }
0xb5: {  	[hbm4b:s12+s2] =	stream.linear.scatter [tilespmem:s10], [sflag:$0x4], $0x8000, $0x38;
	[tilespmem:$0x18080] =	vst v63  }
0xb6: {  	_ =	swait.ge [sflag:s30], $0x8000  }
0xb7: {  	[sflag:s30] =	ssyncset.done $0x0  }
0xb8: {  	[sflag:s30] =	ssyncadd.s32 $0xFFFF8000  }
0xb9: {  	v3 =	vld [tilespmem:$0x60];
	_ =	sdelay $0x4  }
0xba: {  	v62 =	vshll.u32 v3, $0x3  }
0xbb: {  	v3 =	vand.u32 $0x7, v3;
	v4 =	vand.u32 $0xFFFFFFC0, v62  }
0xbc: {  	v3 =	vor.u32 v3, v4  }
0xbd: {  	v4 =	vperm.xlane v3, v0;
	_ =	sdelay $0x1  }
0xbe: {  	v4 =	vadd.s32 v1, v4;
	_ =	sdelay $0x4  }
0xbf: {  	[tilespmem:s10], [sflag:$0x1] =	stream.indirect_vreg.gather [hbm4b:s4+s2], $0x80, v4, vm0, $0xb8;
	[tilespmem:$0x18080] =	vst v63  }
0xc0: {  	v3 =	vperm.xlane v3, v2  }
0xc1: {  	[tilespmem:s13], [sflag:$0x1] =	stream.indirect_vreg.gather [hbm4b:s5+s2], $0x80, v4, vm0, $0xb8;
	[tilespmem:$0x18080] =	vst v63  }
0xc2: {  	v3 =	vadd.s32 v1, v3  }
0xc3: {  	[tilespmem:s14], [sflag:$0x1] =	stream.indirect_vreg.gather [hbm4b:s6+s2], $0x80, v4, vm0, $0xb8;
	[tilespmem:$0x18080] =	vst v63  }
0xc4: {  	_ = 	snop  }
0xc5: {  	[tilespmem:s15], [sflag:$0x1] =	stream.indirect_vreg.gather [hbm4b:s7+s2], $0x80, v4, vm0, $0xb8;
	[tilespmem:$0x18080] =	vst v63  }
0xc6: {  	_ = 	snop  }
0xc7: {  	[tilespmem:s16], [sflag:$0x1] =	stream.indirect_vreg.gather [hbm4b:s4+s2], $0x80, v3, vm0, $0xb8;
	[tilespmem:$0x18080] =	vst v63  }
0xc8: {  	_ = 	snop  }
0xc9: {  	[tilespmem:s17], [sflag:$0x1] =	stream.indirect_vreg.gather [hbm4b:s5+s2], $0x80, v3, vm0, $0xb8;
	[tilespmem:$0x18080] =	vst v63  }
0xca: {  	_ = 	snop  }
0xcb: {  	[tilespmem:s18], [sflag:$0x1] =	stream.indirect_vreg.gather [hbm4b:s6+s2], $0x80, v3, vm0, $0xb8;
	[tilespmem:$0x18080] =	vst v63  }
0xcc: {  	_ = 	snop  }
0xcd: {  	[tilespmem:s19], [sflag:$0x1] =	stream.indirect_vreg.gather [hbm4b:s7+s2], $0x80, v3, vm0, $0xb8;
	[tilespmem:$0x18080] =	vst v63  }
0xce: {  	v3 =	vld [tilespmem:$0x70];
	_ =	sdelay $0x4  }
0xcf: {  	v63 =	vshll.u32 v3, $0x3  }
0xd0: {  	v3 =	vand.u32 $0x7, v3;
	v4 =	vand.u32 $0xFFFFFFC0, v63  }
0xd1: {  	v3 =	vor.u32 v3, v4  }
0xd2: {  	v4 =	vperm.xlane v3, v0;
	_ =	sdelay $0x1  }
0xd3: {  	v4 =	vadd.s32 v1, v4;
	_ =	sdelay $0x4  }
0xd4: {  	[tilespmem:s20], [sflag:$0x1] =	stream.indirect_vreg.gather [hbm4b:s4+s2], $0x80, v4, vm0, $0xb8;
	[tilespmem:$0x18080] =	vst v63  }
0xd5: {  	v3 =	vperm.xlane v3, v2  }
0xd6: {  	[tilespmem:s21], [sflag:$0x1] =	stream.indirect_vreg.gather [hbm4b:s5+s2], $0x80, v4, vm0, $0xb8;
	[tilespmem:$0x18080] =	vst v63  }
0xd7: {  	v3 =	vadd.s32 v1, v3  }
0xd8: {  	[tilespmem:s22], [sflag:$0x1] =	stream.indirect_vreg.gather [hbm4b:s6+s2], $0x80, v4, vm0, $0xb8;
	[tilespmem:$0x18080] =	vst v63  }
0xd9: {  	_ = 	snop  }
0xda: {  	[tilespmem:s23], [sflag:$0x1] =	stream.indirect_vreg.gather [hbm4b:s7+s2], $0x80, v4, vm0, $0xb8;
	[tilespmem:$0x18080] =	vst v63  }
0xdb: {  	_ = 	snop  }
0xdc: {  	[tilespmem:s24], [sflag:$0x1] =	stream.indirect_vreg.gather [hbm4b:s4+s2], $0x80, v3, vm0, $0xb8;
	[tilespmem:$0x18080] =	vst v63  }
0xdd: {  	_ = 	snop  }
0xde: {  	[tilespmem:s25], [sflag:$0x1] =	stream.indirect_vreg.gather [hbm4b:s5+s2], $0x80, v3, vm0, $0xb8;
	[tilespmem:$0x18080] =	vst v63  }
0xdf: {  	_ = 	snop  }
0xe0: {  	[tilespmem:s26], [sflag:$0x1] =	stream.indirect_vreg.gather [hbm4b:s6+s2], $0x80, v3, vm0, $0xb8;
	[tilespmem:$0x18080] =	vst v63  }
0xe1: {  	s12 =	simm.s32 $0x2  }
0xe2: {  	[tilespmem:s28], [sflag:$0x1] =	stream.indirect_vreg.gather [hbm4b:s7+s2], $0x80, v3, vm0, $0xb8;
	[tilespmem:$0x18080] =	vst v63  }
0xe3: {  	_ =	swait.ge [sflag:s12], $0x8000  }
0xe4: {  	[sflag:s12] =	ssyncset.done $0x0  }
0xe5: {  	s11 =	rddreg [dreg:$0x4];
	[sflag:s12] =	ssyncadd.s32 $0xFFFF8000  }
0xe6: {  	[hbm4b:s11+s2] =	stream.linear.scatter [tilespmem:s9], [sflag:$0x5], $0x8000, $0x38;
	[tilespmem:$0x18080] =	vst v63  }
0xe7: {  	_ =	swait.ge [sflag:s1], $0x8000  }
0xe8: {  	[sflag:s1] =	ssyncset.done $0x0  }
0xe9: {  	s9 =	rddreg [dreg:$0x5];
	[sflag:s1] =	ssyncadd.s32 $0xFFFF8000  }
0xea: {  	[hbm4b:s9+s2] =	stream.linear.scatter [tilespmem:s31], [sflag:$0x6], $0x8000, $0x38;
	[tilespmem:$0x18080] =	vst v63  }
0xeb: {  	_ =	swait.ge [sflag:s29], $0x8000  }
0xec: {  	[sflag:s29] =	ssyncset.done $0x0  }
0xed: {  	s12 =	rddreg [dreg:$0x6];
	[sflag:s29] =	ssyncadd.s32 $0xFFFF8000  }
0xee: {  	[hbm4b:s12+s2] =	stream.linear.scatter [tilespmem:s10], [sflag:$0x4], $0x8000, $0x38;
	[tilespmem:$0x18080] =	vst v63  }
0xef: {  	_ =	swait.ge [sflag:s30], $0x8000  }
0xf0: {  	[sflag:s30] =	ssyncset.done $0x0  }
0xf1: {  	[sflag:s30] =	ssyncadd.s32 $0xFFFF8000  }
0xf2: {  	p0 =	sne.s32 s8, $0x1;
	_ =	swait.ge [sflag:s0], $0x8000  }
.Ltmp0:
0xf3: {  	[sflag:s0] =	ssyncset.done $0x0;
	(pc) =	sbr.rel @p0 .LBB2_1-.Ltmp0, $4  }
0xf4: {  	[sflag:s0] =	ssyncadd.s32 $0xFFFF8000  }
0xf5: {  	_ =	swait.ge [sflag:s3], $0x8000  }
0xf6: {  	[sflag:s3] =	ssyncset.done $0x0  }
0xf7: {  	s8 =	sadd.s32 $0xFFFFFFFF, s8;
	[sflag:s3] =	ssyncadd.s32 $0xFFFF8000  }
0xf8: {  	_ =	sfence.sel $0x180000  }
0xf9: {  	[bflag:$0x0] =	sbarrier.arrive $0xFFFF  }
0xfa: {  	_ =	strace $0x9000004A  }
0xfb: {  	s0 =	stileid.u32;
	[bflag:$0x2] =	sbarrier.arrive $0xFFFF  }
0xfc: {  	p0 =	sne.s32 s0, $0x0;
	s0 =	rddreg [dreg:$0x2]  }
0xfd: {  	s0 =	sadd.s32 @!p0 $0x100000, s0  }
0xfe: {  	[sflag:s0] =	ssyncadd.tile.s32 @!p0 $0x1;
	_ =	shalt  }
.Lfunc_end2:
_tile_overlayer_lowered:
.L_overlay_start_2:
0xff: {  	(tag) =	ssettag $0x2  }
0x100: {  	s0 =	rddreg [dreg:$0x0];
	s2 =	stileid.u32  }
0x101: {  	s1 =	rddreg [dreg:$0x1];
	p0 =	sne.s32 s2, $0x0  }
0x102: {  	s3 =	rddreg [dreg:$0x2];
	[bflag:$0x3] =	sbarrier.arrive $0xFFFF;
	s2 =	simm.s32 @!p0 $0x1C07  }
0x103: {  	[timem:s3], [sflag:s2] =	dma.local @!p0 [hbm:s0], s1  }
0x104: {  	s0 =	simm.s32 @!p0 $0x7  }
0x105: {  	_ =	swait.ge @!p0 [sflag:s0], s1  }
0x106: {  	s1 =	ssub.s32 @!p0 $0x0, s1;
	[sflag:s0] =	ssyncset.done @!p0 $0x0  }
0x107: {  	[sflag:s0] =	ssyncadd.s32 @!p0 s1  }
0x108: {  	[bflag:$0x3] =	sbarrier.arrive $0xFFFF  }
0x109: {  	_ =	shalt  }

</sc_bundles>
